<compile_context>
chip_gen: v7x
topology: tpu7x:2x2x1
jax: 0.10.2.dev20260603
libtpu: 0.0.44.dev20260713+nightly
codegen_flags: <defaults>
</compile_context>

<pallas_src>
import functools

import jax
import jax.numpy as jnp
from jax import lax
from jax.experimental import pallas as pl
from jax.experimental.pallas import tpu as pltpu
from jax.experimental.pallas import tpu_sc as plsc

_F = 128
_CUTOFF = 2.0


def _silu(x):
    return x * jax.nn.sigmoid(x)


def _dotT(a, b, prec=jax.lax.Precision.HIGHEST):
    return jax.lax.dot_general(a, b, (((1,), (1,)), ((), ())),
                               preferred_element_type=jnp.float32,
                               precision=prec)


def _sc_gather_build(n, f, n_chunk):
    mesh = plsc.VectorSubcoreMesh(core_axis_name="c", subcore_axis_name="s")

    @functools.partial(
        pl.kernel, mesh=mesh,
        out_type=jax.ShapeDtypeStruct((n, f), jnp.float32),
        scratch_types=[
            pltpu.VMEM((n_chunk,), jnp.int32),
            pltpu.VMEM((n_chunk, f), jnp.float32),
            pltpu.SemaphoreType.DMA,
        ],
    )
    def sc_gather(table_hbm, idx_hbm, out_hbm, idx_v, rows_v, sem):
        wid = lax.axis_index("s") * 2 + lax.axis_index("c")
        base = wid * n_chunk
        pltpu.sync_copy(idx_hbm.at[pl.ds(base, n_chunk)], idx_v)
        pltpu.async_copy(table_hbm.at[idx_v], rows_v, sem).wait()
        pltpu.sync_copy(rows_v, out_hbm.at[pl.ds(base, n_chunk)])

    return sc_gather


def _table_kernel(emb_ref, w1_ref, b1_ref, w2_ref, b2_ref, rbfb_ref, gt_ref):
    emb = emb_ref[...]
    h1 = _silu(_dotT(emb, w1_ref[...]) + b1_ref[0, :])
    phi = _dotT(h1, w2_ref[...]) + b2_ref[0, :]
    rbfb = rbfb_ref[0, :]
    sp1 = phi[:, :_F] * rbfb[None, :_F]
    sp3 = phi[:, 2 * _F:] * rbfb[None, 2 * _F:]
    gt_ref[...] = jnp.concatenate([emb, sp1, sp3], axis=1)


def _mask_tiles(posT_ref, sq_ref, batch_ref, r, ti, cs, base, tj, want_dist):
    pi = posT_ref[:, pl.ds(r * ti, ti)]
    pj = posT_ref[:, pl.ds(cs, tj)]
    dot = jax.lax.dot_general(pi, pj, (((0,), (0,)), ((), ())),
                              preferred_element_type=jnp.float32, precision=jax.lax.Precision.HIGHEST)
    sq_i = sq_ref[0, pl.ds(r * ti, ti)][:, None]
    sq_j = sq_ref[0, pl.ds(cs, tj)][None, :]
    d2 = sq_i + sq_j - 2.0 * dot
    dist_m = jnp.sqrt(jnp.maximum(d2, 0.0))
    b_i = batch_ref[0, pl.ds(r * ti, ti)][:, None]
    b_j = batch_ref[0, pl.ds(cs, tj)][None, :]
    row_ids = r * ti + jax.lax.broadcasted_iota(jnp.int32, (ti, tj), 0)
    col_ids = cs + jax.lax.broadcasted_iota(jnp.int32, (ti, tj), 1)
    adj = (dist_m <= _CUTOFF) & (b_i == b_j) & (col_ids >= base)
    a = adj.astype(jnp.float32) - ((row_ids == col_ids)
                                   & (col_ids >= base)).astype(jnp.float32)
    if not want_dist:
        return a, None
    return a, a * dist_m


def _agg1_kernel(ws_ref, nw_ref, posT_ref, sq_ref, batch_ref,
                 g_ref, uw_ref, vw_ref, up1_ref, up1b_ref, up2_ref, up2b_ref,
                 s1_ref, ds2_ref, acc_ds, acc_m, *, tj):
    ti = s1_ref.shape[0]
    n = sq_ref.shape[1]
    r = pl.program_id(0)
    acc_ds[...] = jnp.zeros_like(acc_ds)
    acc_m[...] = jnp.zeros_like(acc_m)

    def body(w, _):
        base = ws_ref[r] + w * tj
        cs = pl.multiple_of(jnp.minimum(base, n - tj), 128)
        a, b = _mask_tiles(posT_ref, sq_ref, batch_ref, r, ti, cs, base, tj,
                           True)
        sp1 = g_ref[pl.ds(cs, tj), _F:2 * _F]
        sp3 = g_ref[pl.ds(cs, tj), 2 * _F:]
        pxj = posT_ref[0, pl.ds(cs, tj)][None, :]
        pyj = posT_ref[1, pl.ds(cs, tj)][None, :]
        pzj = posT_ref[2, pl.ds(cs, tj)][None, :]
        acc_ds[...] += jnp.dot(a, sp1, preferred_element_type=jnp.float32)
        acc_m[:, :_F] += jnp.dot(b, sp3, preferred_element_type=jnp.float32)
        acc_m[:, _F:2 * _F] += jnp.dot(b * pxj, sp3,
                                       preferred_element_type=jnp.float32)
        acc_m[:, 2 * _F:3 * _F] += jnp.dot(b * pyj, sp3,
                                           preferred_element_type=jnp.float32)
        acc_m[:, 3 * _F:] += jnp.dot(b * pzj, sp3,
                                     preferred_element_type=jnp.float32)
        return 0

    jax.lax.fori_loop(0, nw_ref[r], body, 0)

    ds = acc_ds[...]
    m = acc_m[...]
    px = posT_ref[0, pl.ds(r * ti, ti)][:, None]
    py = posT_ref[1, pl.ds(r * ti, ti)][:, None]
    pz = posT_ref[2, pl.ds(r * ti, ti)][:, None]
    m3 = m[:, :_F]
    vx = px * m3 - m[:, _F:2 * _F]
    vy = py * m3 - m[:, 2 * _F:3 * _F]
    vz = pz * m3 - m[:, 3 * _F:]
    s1 = g_ref[pl.ds(r * ti, ti), :_F] + ds
    s1_ref[...] = s1
    uw = uw_ref[...]
    vw = vw_ref[...]
    dp = jax.lax.Precision.DEFAULT
    ux, uy, uz = _dotT(vx, uw, dp), _dotT(vy, uw, dp), _dotT(vz, uw, dp)
    vvx, vvy, vvz = _dotT(vx, vw, dp), _dotT(vy, vw, dp), _dotT(vz, vw, dp)
    vnorm = jnp.sqrt(vvx * vvx + vvy * vvy + vvz * vvz)
    stack = jnp.concatenate([s1, vnorm], axis=1)
    h = _silu(_dotT(stack, up1_ref[...]) + up1b_ref[0, :])
    split = _dotT(h, up2_ref[...]) + up2b_ref[0, :]
    uv = ux * vvx + uy * vvy + uz * vvz
    ds2_ref[...] = split[:, _F:2 * _F] + uv * split[:, 2 * _F:]


def _agg2_kernel(ws_ref, nw_ref, posT_ref, sq_ref, batch_ref, ds2_ref, s1_ref,
                 o1_ref, o1b_ref, o2_ref, o2b_ref, y_ref, acc, *, tj, n_graphs):
    ti = s1_ref.shape[0]
    n = sq_ref.shape[1]
    r = pl.program_id(0)
    acc[...] = jnp.zeros_like(acc)

    @pl.when(r == 0)
    def _():
        y_ref[...] = jnp.zeros_like(y_ref)

    def body(w, _):
        base = ws_ref[r] + w * tj
        cs = pl.multiple_of(jnp.minimum(base, n - tj), 128)
        a, _unused = _mask_tiles(posT_ref, sq_ref, batch_ref, r, ti, cs, base,
                                 tj, False)
        d = ds2_ref[pl.ds(cs, tj), :]
        acc[...] += jnp.dot(a, d, preferred_element_type=jnp.float32)
        return 0

    jax.lax.fori_loop(0, nw_ref[r], body, 0)

    s2 = s1_ref[...] + acc[...]
    h = _silu(_dotT(s2, o1_ref[...]) + o1b_ref[0, :])
    hw = h * o2_ref[0, :][None, :]
    bt = batch_ref[0, pl.ds(r * ti, ti)][:, None]
    oh = (bt == jax.lax.broadcasted_iota(jnp.int32, (ti, n_graphs), 1))
    ohf = oh.astype(jnp.float32)
    m1 = jax.lax.dot_general(ohf, hw, (((0,), (0,)), ((), ())),
                             preferred_element_type=jnp.float32,
                             precision=jax.lax.Precision.HIGHEST)
    contrib = jnp.sum(m1, axis=1) + o2b_ref[0, 0] * jnp.sum(ohf, axis=0)
    y_ref[...] += contrib[None, :]


def _full_spec(shape):
    nd = len(shape)
    return pl.BlockSpec(shape, lambda r, *_: (0,) * nd)


def kernel(z, pos, batch, emb_table, phi1_w, phi1_b, phi2_w, phi2_b, rbfW_w,
           rbfW_b, U_w, V_w, up1_w, up1_b, up2_w, up2_b, out1_w, out1_b,
           out2_w, out2_b):
    n = z.shape[0]
    n_graphs = 128
    ti = min(512, n)
    tj = min(768, n)
    nrt = n // ti

    batch2 = batch.reshape(1, n).astype(jnp.int32)
    posT = pos.T
    sq = jnp.sum(pos * pos, axis=1).reshape(1, n)

    br = batch.reshape(nrt, ti)
    bmin = br[:, 0]
    bmax = br[:, -1]
    starts = jnp.sum(batch[None, :] < bmin[:, None], axis=1)
    ends = jnp.sum(batch[None, :] <= bmax[:, None], axis=1)
    ws = ((starts // 128) * 128).astype(jnp.int32)
    nw = ((ends - ws + tj - 1) // tj).astype(jnp.int32)

    num_atoms = emb_table.shape[0]
    gtable = pl.pallas_call(
        _table_kernel,
        grid=(1,),
        in_specs=[
            _full_spec(emb_table.shape),
            _full_spec(phi1_w.shape),
            _full_spec((1, _F)),
            _full_spec(phi2_w.shape),
            _full_spec((1, 3 * _F)),
            _full_spec((1, 3 * _F)),
        ],
        out_specs=_full_spec((num_atoms, 3 * _F)),
        out_shape=jax.ShapeDtypeStruct((num_atoms, 3 * _F), jnp.float32),
    )(emb_table, phi1_w, phi1_b.reshape(1, _F), phi2_w,
      phi2_b.reshape(1, 3 * _F), rbfW_b.reshape(1, 3 * _F))

    g = _sc_gather_build(n, 3 * _F, n // 32)(gtable, z.astype(jnp.int32))

    grid_spec1 = pltpu.PrefetchScalarGridSpec(
        num_scalar_prefetch=2,
        grid=(nrt,),
        in_specs=[
            _full_spec((3, n)),
            _full_spec((1, n)),
            _full_spec((1, n)),
            _full_spec((n, 3 * _F)),
            _full_spec(U_w.shape),
            _full_spec(V_w.shape),
            _full_spec(up1_w.shape),
            _full_spec((1, _F)),
            _full_spec(up2_w.shape),
            _full_spec((1, 3 * _F)),
        ],
        out_specs=[
            pl.BlockSpec((ti, _F), lambda r, *_: (r, 0)),
            pl.BlockSpec((ti, _F), lambda r, *_: (r, 0)),
        ],
        scratch_shapes=[
            pltpu.VMEM((ti, _F), jnp.float32),
            pltpu.VMEM((ti, 4 * _F), jnp.float32),
        ],
    )
    s1, ds2 = pl.pallas_call(
        functools.partial(_agg1_kernel, tj=tj),
        grid_spec=grid_spec1,
        out_shape=[
            jax.ShapeDtypeStruct((n, _F), jnp.float32),
            jax.ShapeDtypeStruct((n, _F), jnp.float32),
        ],
    )(ws, nw, posT, sq, batch2, g, U_w, V_w, up1_w,
      up1_b.reshape(1, _F), up2_w, up2_b.reshape(1, 3 * _F))

    grid_spec2 = pltpu.PrefetchScalarGridSpec(
        num_scalar_prefetch=2,
        grid=(nrt,),
        in_specs=[
            _full_spec((3, n)),
            _full_spec((1, n)),
            _full_spec((1, n)),
            _full_spec((n, _F)),
            pl.BlockSpec((ti, _F), lambda r, *_: (r, 0)),
            _full_spec(out1_w.shape),
            _full_spec((1, _F)),
            _full_spec(out2_w.shape),
            _full_spec((1, 1)),
        ],
        out_specs=pl.BlockSpec((1, n_graphs), lambda r, *_: (0, 0)),
        scratch_shapes=[pltpu.VMEM((ti, _F), jnp.float32)],
    )
    y = pl.pallas_call(
        functools.partial(_agg2_kernel, tj=tj, n_graphs=n_graphs),
        grid_spec=grid_spec2,
        out_shape=jax.ShapeDtypeStruct((1, n_graphs), jnp.float32),
    )(ws, nw, posT, sq, batch2, ds2, s1, out1_w, out1_b.reshape(1, _F),
      out2_w, out2_b.reshape(1, 1))

    return y.reshape(n_graphs, 1)

# --- scband reference (transcript-rebuilt; emitter-appended) ---
"""Pipeline reference for scband-pai-nn-24618752541188 (READ-ONLY COPY).

The authoritative reference and input builder live on the scoring server;
editing this copy changes nothing except your own understanding.
"""

import jax, jax.numpy as jnp
import numpy as np

N = 4096
NUM_ATOMS = 100
F_DIM = 128
H_DIM = 128
CUTOFF = 2.0
N_GRAPHS = 128
CHUNK = 32


def silu(x):
    return x * jax.nn.sigmoid(x)


def get_neighbours(pos_chunk, sq_chunk, row_idx, pos, sq, batch_chunk, batch, cutoff_dist):
    d2 = sq_chunk[:, None] + sq[None, :] - 2.0 * (pos_chunk @ pos.T)
    dist = jnp.sqrt(jnp.maximum(d2, 0.0))
    adj = jnp.where(dist <= cutoff_dist, 1.0, 0.0)
    same = (batch_chunk[:, None] == batch[None, :]).astype(jnp.float32)
    diag = (row_idx[:, None] == jnp.arange(pos.shape[0])[None, :]).astype(jnp.float32)
    # original swaps rows: row0 = source j, row1 = target i
    return adj * same - diag


def setup_inputs(seed: int = 0):
    key = jax.random.key(seed)
    ks = jax.random.split(key, 24)
    sc = 0.05
    F = F_DIM
    inp = {}
    inp['z'] = jax.random.randint(ks[0], (N,), 0, NUM_ATOMS)
    inp['pos'] = jax.random.normal(ks[1], (N, 3), dtype=jnp.float32)
    inp['batch'] = jnp.sort(jax.random.randint(ks[2], (N,), 0, N_GRAPHS))
    inp['emb_table'] = jax.random.normal(ks[3], (NUM_ATOMS, F), dtype=jnp.float32) * sc
    inp['phi1_w'] = jax.random.normal(ks[4], (F, F), dtype=jnp.float32) * sc
    inp['phi1_b'] = jax.random.normal(ks[5], (F,), dtype=jnp.float32) * sc
    inp['phi2_w'] = jax.random.normal(ks[6], (3 * F, F), dtype=jnp.float32) * sc
    inp['phi2_b'] = jax.random.normal(ks[7], (3 * F,), dtype=jnp.float32) * sc
    inp['rbfW_w'] = jax.random.normal(ks[8], (3 * F, 20), dtype=jnp.float32) * sc
    inp['rbfW_b'] = jax.random.normal(ks[9], (3 * F,), dtype=jnp.float32) * sc
    inp['U_w'] = jax.random.normal(ks[10], (F, F), dtype=jnp.float32) * sc
    inp['V_w'] = jax.random.normal(ks[11], (F, F), dtype=jnp.float32) * sc
    inp['up1_w'] = jax.random.normal(ks[12], (F, 2 * F), dtype=jnp.float32) * sc
    inp['up1_b'] = jax.random.normal(ks[13], (F,), dtype=jnp.float32) * sc
    inp['up2_w'] = jax.random.normal(ks[14], (3 * F, F), dtype=jnp.float32) * sc
    inp['up2_b'] = jax.random.normal(ks[15], (3 * F,), dtype=jnp.float32) * sc
    inp['out1_w'] = jax.random.normal(ks[16], (H_DIM, F), dtype=jnp.float32) * sc
    inp['out1_b'] = jax.random.normal(ks[17], (H_DIM,), dtype=jnp.float32) * sc
    inp['out2_w'] = jax.random.normal(ks[18], (1, H_DIM), dtype=jnp.float32) * sc
    inp['out2_b'] = jax.random.normal(ks[19], (1,), dtype=jnp.float32) * sc
    return inp


def _forward(z, pos, batch, ng, emb_table, phi1_w, phi1_b, phi2_w, phi2_b, rbfW_w, rbfW_b, U_w, V_w, up1_w, up1_b, up2_w, up2_b, out1_w, out1_b, out2_w, out2_b):
    F = F_DIM
    n = z.shape[0]
    nchunks = n // CHUNK
    sq = jnp.sum(pos * pos, axis=1)
    pos_c = pos.reshape(nchunks, CHUNK, 3)
    sq_c = sq.reshape(nchunks, CHUNK)
    batch_c = batch.reshape(nchunks, CHUNK)
    rows_c = jnp.arange(n).reshape(nchunks, CHUNK)
    s = emb_table[z]
    v = jnp.zeros((3, n, F), dtype=jnp.float32)
    # ---- Message block ----
    phi = silu(s @ phi1_w.T + phi1_b) @ phi2_w.T + phi2_b
    vT = jnp.transpose(v, (1, 2, 0))
    kfreq = jnp.arange(1, 21, dtype=jnp.float32)

    def msg_chunk(carry, ch):
        p_ck, sq_ck, b_ck, r_ck = ch
        maskf = get_neighbours(p_ck, sq_ck, r_ck, pos, sq, b_ck, batch, CUTOFF)
        rel = p_ck[:, None, :] - pos[None, :, :]
        dist = jnp.linalg.norm(rel, axis=2)
        cut = jnp.where(dist <= CUTOFF, 0.5 * (jnp.cos(jnp.pi * dist / CUTOFF) + 1.0), jax.lax.stop_gradient(dist))
        cut = jnp.where(dist > 0, 0.0, cut)  # faithful to original code: zeroes cutoff on every real edge
        dist_safe = jnp.where(dist > 0, dist, 1.0)
        rbf = cut[:, :, None] * jnp.sin(kfreq[None, None, :] * jnp.pi * dist[:, :, None] / CUTOFF) / dist_safe[:, :, None]
        W = rbf @ rbfW_w.T + rbfW_b
        split = phi[None, :, :] * W
        sp1 = split[:, :, :F]
        sp2 = split[:, :, F:2 * F]
        sp3 = split[:, :, 2 * F:]
        dv = vT[None, :, :, :] * sp2[:, :, :, None] + (sp3[:, :, :, None] * rel[:, :, None, :]) * dist[:, :, None, None]
        ds_ck = jnp.sum(sp1 * maskf[:, :, None], axis=1)
        dv_ck = jnp.sum(dv * maskf[:, :, None, None], axis=1)
        return carry, (ds_ck, dv_ck)

    _, (ds, dvn) = jax.lax.scan(msg_chunk, 0, (pos_c, sq_c, batch_c, rows_c))
    s = s + ds.reshape(n, F)
    v = v + jnp.transpose(dvn.reshape(n, F, 3), (2, 0, 1))
    # ---- Update block (pos/batch unchanged so neighbour list identical; reuse mask) ----
    U = v @ U_w.T
    V = v @ V_w.T
    stack = jnp.concatenate([s, jnp.linalg.norm(V, axis=0)], axis=1)
    stack = silu(stack @ up1_w.T + up1_b)
    split = stack @ up2_w.T + up2_b
    a1 = split[:, :F]
    a2 = split[:, F:2 * F]
    a3 = split[:, 2 * F:]
    ds2 = a2 + jnp.sum(U * V, axis=0) * a3
    dv2 = U * a1[None, :, :]
    dv2T = jnp.transpose(dv2, (1, 2, 0))

    def upd_chunk(carry, ch):
        p_ck, sq_ck, b_ck, r_ck = ch
        maskf = get_neighbours(p_ck, sq_ck, r_ck, pos, sq, b_ck, batch, CUTOFF)
        ds_ck = jnp.sum(ds2[None, :, :] * maskf[:, :, None], axis=1)
        dv_ck = jnp.sum(dv2T[None, :, :, :] * maskf[:, :, None, None], axis=1)
        return carry, (ds_ck, dv_ck)

    _, (ds2a, dv2a) = jax.lax.scan(upd_chunk, 0, (pos_c, sq_c, batch_c, rows_c))
    s = s + ds2a.reshape(n, F)
    v = v + jnp.transpose(dv2a.reshape(n, F, 3), (2, 0, 1))
    # ---- readout ----
    out = silu(s @ out1_w.T + out1_b) @ out2_w.T + out2_b
    return jax.ops.segment_sum(out, batch, num_segments=ng)


def reference(z, pos, batch, emb_table, phi1_w, phi1_b, phi2_w, phi2_b, rbfW_w, rbfW_b, U_w, V_w, up1_w, up1_b, up2_w, up2_b, out1_w, out1_b, out2_w, out2_b):
    ng = N_GRAPHS
    return _forward(z, pos, batch, ng, emb_table, phi1_w, phi1_b, phi2_w, phi2_b, rbfW_w, rbfW_b, U_w, V_w, up1_w, up1_b, up2_w, up2_b, out1_w, out1_b, out2_w, out2_b)

if __name__ == "__main__":
    import jax
    _d = setup_inputs()
    print(jax.jit(kernel)(*tuple(_d.values())))

</pallas_src>

<mosaic_0001>
#map = affine_map<(d0, d1) -> (0, 0)>
#map1 = affine_map<(d0, d1) -> (0)>
module attributes {stable_mosaic.version = 14 : i64} {
  func.func @sc_gather(%arg0: i32, %arg1: i32, %arg2: memref<100x384xf32, #tpu.memory_space<hbm>>, %arg3: memref<4096xi32, #tpu.memory_space<hbm>>, %arg4: memref<4096x384xf32, #tpu.memory_space<hbm>>, %arg5: memref<128xi32, #tpu.memory_space<vmem>>, %arg6: memref<128x384xf32, #tpu.memory_space<vmem>>, %arg7: memref<!tpu.dma_semaphore, #tpu.memory_space<semaphore_mem>>) attributes {dimension_semantics = [#tpu.dimension_semantics<core_parallel>, #tpu.dimension_semantics<subcore_parallel>], iteration_bounds = array<i64: 2, 16>, scalar_prefetch = 0 : i64, scratch_operands = 3 : i64, tpu.core_type = #tpu.core_type<sc_vector_subcore>, window_params = [{transform_indices = #map}, {transform_indices = #map1}, {transform_indices = #map}]} {
    %mul3A = arith.constant 2 : i32
    %mul3A_0 = arith.muli %arg1, %mul3A : i32
    %add3A = arith.addi %mul3A_0, %arg0 : i32
    %mul3A_1 = arith.constant 128 : i32
    %mul3A_2 = arith.muli %add3A, %mul3A_1 : i32
    "tpu.region"() ({
      %run_scoped3A = tpu.sem_alloc : memref<!tpu.dma_semaphore, #tpu.memory_space<semaphore_mem>>
      %dma_start3A_7 = tpu.memref_slice %arg3[%mul3A_2] : memref<4096xi32, #tpu.memory_space<hbm>> -> memref<128xi32, #tpu.memory_space<hbm>>
      %dma_start3A_8 = tpu.memref_slice %arg3[%mul3A_2] : memref<4096xi32, #tpu.memory_space<hbm>> -> memref<128xi32, #tpu.memory_space<hbm>>
      tpu.enqueue_dma source(%dma_start3A_8 : memref<128xi32, #tpu.memory_space<hbm>>) target(%arg5 : memref<128xi32, #tpu.memory_space<vmem>>) target_semaphore(%run_scoped3A : memref<!tpu.dma_semaphore, #tpu.memory_space<semaphore_mem>>)
      %dma_wait3A_9 = tpu.memref_slice %arg3[%mul3A_2] : memref<4096xi32, #tpu.memory_space<hbm>> -> memref<128xi32, #tpu.memory_space<hbm>>
      %dma_wait3A_10 = tpu.memref_slice %arg3[%mul3A_2] : memref<4096xi32, #tpu.memory_space<hbm>> -> memref<128xi32, #tpu.memory_space<hbm>>
      tpu.wait_dma2 semaphore(%run_scoped3A : memref<!tpu.dma_semaphore, #tpu.memory_space<semaphore_mem>>) src(%dma_wait3A_10 : memref<128xi32, #tpu.memory_space<hbm>>) dst(%arg5 : memref<128xi32, #tpu.memory_space<vmem>>)
      tpu.yield
    }) : () -> ()
    %dma_start3A = arith.constant 0 : i32
    %dma_start3A_3 = arith.constant 0 : i32
    %dma_start3A_4 = tpu.memref_slice %arg2[%dma_start3A, %dma_start3A_3] : memref<100x384xf32, #tpu.memory_space<hbm>> -> memref<100x384xf32, #tpu.memory_space<hbm>>
    tpu.enqueue_indirect_dma source(%dma_start3A_4 : memref<100x384xf32, #tpu.memory_space<hbm>>) target(%arg6 : memref<128x384xf32, #tpu.memory_space<vmem>>) offsets(%arg5 : memref<128xi32, #tpu.memory_space<vmem>>) semaphore(%arg7 : memref<!tpu.dma_semaphore, #tpu.memory_space<semaphore_mem>>)
    %dma_wait3A = arith.constant 0 : i32
    %dma_wait3A_5 = arith.constant 0 : i32
    %dma_wait3A_6 = tpu.memref_slice %arg2[%dma_wait3A, %dma_wait3A_5] : memref<100x384xf32, #tpu.memory_space<hbm>> -> memref<100x384xf32, #tpu.memory_space<hbm>>
    tpu.wait_indirect_dma semaphore(%arg7 : memref<!tpu.dma_semaphore, #tpu.memory_space<semaphore_mem>>) src(%dma_wait3A_6 : memref<100x384xf32, #tpu.memory_space<hbm>>) dst(%arg6 : memref<128x384xf32, #tpu.memory_space<vmem>>)
    "tpu.region"() ({
      %run_scoped3A = tpu.sem_alloc : memref<!tpu.dma_semaphore, #tpu.memory_space<semaphore_mem>>
      %dma_start3A_7 = arith.constant 0 : i32
      %dma_start3A_8 = tpu.memref_slice %arg4[%mul3A_2, %dma_start3A_7] : memref<4096x384xf32, #tpu.memory_space<hbm>> -> memref<128x384xf32, #tpu.memory_space<hbm>>
      %dma_start3A_9 = arith.constant 0 : i32
      %dma_start3A_10 = tpu.memref_slice %arg4[%mul3A_2, %dma_start3A_9] : memref<4096x384xf32, #tpu.memory_space<hbm>> -> memref<128x384xf32, #tpu.memory_space<hbm>>
      tpu.enqueue_dma source(%arg6 : memref<128x384xf32, #tpu.memory_space<vmem>>) target(%dma_start3A_10 : memref<128x384xf32, #tpu.memory_space<hbm>>) target_semaphore(%run_scoped3A : memref<!tpu.dma_semaphore, #tpu.memory_space<semaphore_mem>>)
      %dma_wait3A_11 = arith.constant 0 : i32
      %dma_wait3A_12 = tpu.memref_slice %arg4[%mul3A_2, %dma_wait3A_11] : memref<4096x384xf32, #tpu.memory_space<hbm>> -> memref<128x384xf32, #tpu.memory_space<hbm>>
      %dma_wait3A_13 = arith.constant 0 : i32
      %dma_wait3A_14 = tpu.memref_slice %arg4[%mul3A_2, %dma_wait3A_13] : memref<4096x384xf32, #tpu.memory_space<hbm>> -> memref<128x384xf32, #tpu.memory_space<hbm>>
      tpu.wait_dma2 semaphore(%run_scoped3A : memref<!tpu.dma_semaphore, #tpu.memory_space<semaphore_mem>>) src(%arg6 : memref<128x384xf32, #tpu.memory_space<vmem>>) dst(%dma_wait3A_14 : memref<128x384xf32, #tpu.memory_space<hbm>>)
      tpu.yield
    }) : () -> ()
    return
  }
}

module attributes {stable_mosaic.version = 14 : i64} {
  func.func @_table_kernel(%arg0: i32, %arg1: memref<100x128xf32, #tpu.memory_space<vmem>>, %arg2: memref<128x128xf32, #tpu.memory_space<vmem>>, %arg3: memref<1x128xf32, #tpu.memory_space<vmem>>, %arg4: memref<384x128xf32, #tpu.memory_space<vmem>>, %arg5: memref<1x384xf32, #tpu.memory_space<vmem>>, %arg6: memref<1x384xf32, #tpu.memory_space<vmem>>, %arg7: memref<100x384xf32, #tpu.memory_space<vmem>>) attributes {dimension_semantics = [#tpu.dimension_semantics<arbitrary>], iteration_bounds = array<i64: 1>, scalar_prefetch = 0 : i64, scratch_operands = 0 : i64, tpu.core_type = #tpu.core_type<tc>, window_params = [{pipeline_mode = #tpu.pipeline_mode<synchronous>, transform_indices = @transform_0, window_bounds = array<i64: 100, 128>}, {pipeline_mode = #tpu.pipeline_mode<synchronous>, transform_indices = @transform_1, window_bounds = array<i64: 128, 128>}, {pipeline_mode = #tpu.pipeline_mode<synchronous>, transform_indices = @transform_2, window_bounds = array<i64: 1, 128>}, {pipeline_mode = #tpu.pipeline_mode<synchronous>, transform_indices = @transform_3, window_bounds = array<i64: 384, 128>}, {pipeline_mode = #tpu.pipeline_mode<synchronous>, transform_indices = @transform_4, window_bounds = array<i64: 1, 384>}, {pipeline_mode = #tpu.pipeline_mode<synchronous>, transform_indices = @transform_5, window_bounds = array<i64: 1, 384>}, {pipeline_mode = #tpu.pipeline_mode<synchronous>, transform_indices = @transform_6, window_bounds = array<i64: 100, 384>}]} {
    %get3A = arith.constant 0 : index
    %get3A_0 = arith.constant 0 : index
    %get3A_1 = vector.load %arg1[%get3A, %get3A_0] : memref<100x128xf32, #tpu.memory_space<vmem>>, vector<100x128xf32>
    %get3A_2 = arith.constant 0 : index
    %get3A_3 = arith.constant 0 : index
    %get3A_4 = vector.load %arg2[%get3A_2, %get3A_3] : memref<128x128xf32, #tpu.memory_space<vmem>>, vector<128x128xf32>
    %dot_general3A = arith.constant dense<0.000000e+00> : vector<100x128xf32>
    %dot_general3A_5 = tpu.matmul %get3A_1, %get3A_4, %dot_general3A {dimension_numbers = #tpu.dot_dimension_numbers<[1], [1], [0], [0], [0, 0, 1, 0], [], []>, precision = #tpu.contract_precision<fp32>, transpose_lhs_hint = false} : vector<100x128xf32>, vector<128x128xf32>, vector<100x128xf32> -> vector<100x128xf32>
    %get3A_6 = arith.constant 0 : index
    %get3A_7 = arith.constant 0 : index
    %get3A_8 = vector.load %arg3[%get3A_6, %get3A_7] : memref<1x128xf32, #tpu.memory_space<vmem>>, vector<1x128xf32>
    %get3A_9 = vector.shape_cast %get3A_8 : vector<1x128xf32> to vector<128xf32>
    %broadcast_in_dim3A = vector.shape_cast %get3A_9 : vector<128xf32> to vector<1x128xf32>
    %add3A = vector.broadcast %broadcast_in_dim3A : vector<1x128xf32> to vector<100x128xf32>
    %add3A_10 = arith.addf %dot_general3A_5, %add3A : vector<100x128xf32>
    %logistic3A = arith.negf %add3A_10 : vector<100x128xf32>
    %logistic3A_11 = math.exp %logistic3A : vector<100x128xf32>
    %logistic3A_12 = arith.constant 1.000000e+00 : f32
    %logistic3A_13 = vector.broadcast %logistic3A_12 : f32 to vector<100x128xf32>
    %logistic3A_14 = arith.addf %logistic3A_13, %logistic3A_11 : vector<100x128xf32>
    %logistic3A_15 = arith.divf %logistic3A_13, %logistic3A_14 : vector<100x128xf32>
    %mul3A = arith.mulf %add3A_10, %logistic3A_15 : vector<100x128xf32>
    %get3A_16 = arith.constant 0 : index
    %get3A_17 = arith.constant 0 : index
    %get3A_18 = vector.load %arg4[%get3A_16, %get3A_17] : memref<384x128xf32, #tpu.memory_space<vmem>>, vector<384x128xf32>
    %dot_general3A_19 = arith.constant dense<0.000000e+00> : vector<100x384xf32>
    %dot_general3A_20 = tpu.matmul %mul3A, %get3A_18, %dot_general3A_19 {dimension_numbers = #tpu.dot_dimension_numbers<[1], [1], [0], [0], [0, 0, 1, 0], [], []>, precision = #tpu.contract_precision<fp32>, transpose_lhs_hint = false} : vector<100x128xf32>, vector<384x128xf32>, vector<100x384xf32> -> vector<100x384xf32>
    %get3A_21 = arith.constant 0 : index
    %get3A_22 = arith.constant 0 : index
    %get3A_23 = vector.load %arg5[%get3A_21, %get3A_22] : memref<1x384xf32, #tpu.memory_space<vmem>>, vector<1x384xf32>
    %get3A_24 = vector.shape_cast %get3A_23 : vector<1x384xf32> to vector<384xf32>
    %broadcast_in_dim3A_25 = vector.shape_cast %get3A_24 : vector<384xf32> to vector<1x384xf32>
    %add3A_26 = vector.broadcast %broadcast_in_dim3A_25 : vector<1x384xf32> to vector<100x384xf32>
    %add3A_27 = arith.addf %dot_general3A_20, %add3A_26 : vector<100x384xf32>
    %get3A_28 = arith.constant 0 : index
    %get3A_29 = arith.constant 0 : index
    %get3A_30 = vector.load %arg6[%get3A_28, %get3A_29] : memref<1x384xf32, #tpu.memory_space<vmem>>, vector<1x384xf32>
    %get3A_31 = vector.shape_cast %get3A_30 : vector<1x384xf32> to vector<384xf32>
    %slice3A = vector.extract_strided_slice %add3A_27 {offsets = [0, 0], sizes = [100, 128], strides = [1, 1]} : vector<100x384xf32> to vector<100x128xf32>
    %slice3A_32 = vector.extract_strided_slice %get3A_31 {offsets = [0], sizes = [128], strides = [1]} : vector<384xf32> to vector<128xf32>
    %broadcast_in_dim3A_33 = vector.shape_cast %slice3A_32 : vector<128xf32> to vector<1x128xf32>
    %mul3A_34 = vector.broadcast %broadcast_in_dim3A_33 : vector<1x128xf32> to vector<100x128xf32>
    %mul3A_35 = arith.mulf %slice3A, %mul3A_34 : vector<100x128xf32>
    %slice3A_36 = vector.extract_strided_slice %add3A_27 {offsets = [0, 256], sizes = [100, 128], strides = [1, 1]} : vector<100x384xf32> to vector<100x128xf32>
    %slice3A_37 = vector.extract_strided_slice %get3A_31 {offsets = [256], sizes = [128], strides = [1]} : vector<384xf32> to vector<128xf32>
    %broadcast_in_dim3A_38 = vector.shape_cast %slice3A_37 : vector<128xf32> to vector<1x128xf32>
    %mul3A_39 = vector.broadcast %broadcast_in_dim3A_38 : vector<1x128xf32> to vector<100x128xf32>
    %mul3A_40 = arith.mulf %slice3A_36, %mul3A_39 : vector<100x128xf32>
    %concatenate3A = tpu.concatenate %get3A_1, %mul3A_35, %mul3A_40 in 1 : vector<100x128xf32>, vector<100x128xf32>, vector<100x128xf32> -> vector<100x384xf32>
    %swap3A = arith.constant 0 : index
    %swap3A_41 = arith.constant 0 : index
    %swap3A_42 = vector.load %arg7[%swap3A, %swap3A_41] : memref<100x384xf32, #tpu.memory_space<vmem>>, vector<100x384xf32>
    tpu.vector_store %arg7[%swap3A, %swap3A_41], %concatenate3A {strides = array<i32>} : memref<100x384xf32, #tpu.memory_space<vmem>>, vector<100x384xf32>,
    return
  }
  func.func @transform_0(%arg0: i32) -> (i32, i32) {
    %c0_i32 = arith.constant 0 : i32
    %c0_i32_0 = arith.constant 0 : i32
    %c0_i32_1 = arith.constant 0 : i32
    return %c0_i32, %c0_i32_0 : i32, i32
  }
  func.func @transform_1(%arg0: i32) -> (i32, i32) {
    %c0_i32 = arith.constant 0 : i32
    %c0_i32_0 = arith.constant 0 : i32
    %c0_i32_1 = arith.constant 0 : i32
    return %c0_i32, %c0_i32_0 : i32, i32
  }
  func.func @transform_2(%arg0: i32) -> (i32, i32) {
    %c0_i32 = arith.constant 0 : i32
    %c0_i32_0 = arith.constant 0 : i32
    %c0_i32_1 = arith.constant 0 : i32
    return %c0_i32, %c0_i32_0 : i32, i32
  }
  func.func @transform_3(%arg0: i32) -> (i32, i32) {
    %c0_i32 = arith.constant 0 : i32
    %c0_i32_0 = arith.constant 0 : i32
    %c0_i32_1 = arith.constant 0 : i32
    return %c0_i32, %c0_i32_0 : i32, i32
  }
  func.func @transform_4(%arg0: i32) -> (i32, i32) {
    %c0_i32 = arith.constant 0 : i32
    %c0_i32_0 = arith.constant 0 : i32
    %c0_i32_1 = arith.constant 0 : i32
    return %c0_i32, %c0_i32_0 : i32, i32
  }
  func.func @transform_5(%arg0: i32) -> (i32, i32) {
    %c0_i32 = arith.constant 0 : i32
    %c0_i32_0 = arith.constant 0 : i32
    %c0_i32_1 = arith.constant 0 : i32
    return %c0_i32, %c0_i32_0 : i32, i32
  }
  func.func @transform_6(%arg0: i32) -> (i32, i32) {
    %c0_i32 = arith.constant 0 : i32
    %c0_i32_0 = arith.constant 0 : i32
    %c0_i32_1 = arith.constant 0 : i32
    return %c0_i32, %c0_i32_0 : i32, i32
  }
}

module attributes {stable_mosaic.version = 14 : i64} {
  func.func @_agg1_kernel(%arg0: i32, %arg1: memref<8xi32, #tpu.memory_space<smem>>, %arg2: memref<8xi32, #tpu.memory_space<smem>>, %arg3: memref<3x4096xf32, #tpu.memory_space<vmem>>, %arg4: memref<1x4096xf32, #tpu.memory_space<vmem>>, %arg5: memref<1x4096xi32, #tpu.memory_space<vmem>>, %arg6: memref<4096x384xf32, #tpu.memory_space<vmem>>, %arg7: memref<128x128xf32, #tpu.memory_space<vmem>>, %arg8: memref<128x128xf32, #tpu.memory_space<vmem>>, %arg9: memref<128x256xf32, #tpu.memory_space<vmem>>, %arg10: memref<1x128xf32, #tpu.memory_space<vmem>>, %arg11: memref<384x128xf32, #tpu.memory_space<vmem>>, %arg12: memref<1x384xf32, #tpu.memory_space<vmem>>, %arg13: memref<512x128xf32, #tpu.memory_space<vmem>>, %arg14: memref<512x128xf32, #tpu.memory_space<vmem>>, %arg15: memref<512x128xf32, #tpu.memory_space<vmem>>, %arg16: memref<512x512xf32, #tpu.memory_space<vmem>>) attributes {dimension_semantics = [#tpu.dimension_semantics<arbitrary>], iteration_bounds = array<i64: 8>, scalar_prefetch = 2 : i64, scratch_operands = 2 : i64, tpu.core_type = #tpu.core_type<tc>, window_params = [{pipeline_mode = #tpu.pipeline_mode<synchronous>, transform_indices = @transform_0, window_bounds = array<i64: 3, 4096>}, {pipeline_mode = #tpu.pipeline_mode<synchronous>, transform_indices = @transform_1, window_bounds = array<i64: 1, 4096>}, {pipeline_mode = #tpu.pipeline_mode<synchronous>, transform_indices = @transform_2, window_bounds = array<i64: 1, 4096>}, {pipeline_mode = #tpu.pipeline_mode<synchronous>, transform_indices = @transform_3, window_bounds = array<i64: 4096, 384>}, {pipeline_mode = #tpu.pipeline_mode<synchronous>, transform_indices = @transform_4, window_bounds = array<i64: 128, 128>}, {pipeline_mode = #tpu.pipeline_mode<synchronous>, transform_indices = @transform_5, window_bounds = array<i64: 128, 128>}, {pipeline_mode = #tpu.pipeline_mode<synchronous>, transform_indices = @transform_6, window_bounds = array<i64: 128, 256>}, {pipeline_mode = #tpu.pipeline_mode<synchronous>, transform_indices = @transform_7, window_bounds = array<i64: 1, 128>}, {pipeline_mode = #tpu.pipeline_mode<synchronous>, transform_indices = @transform_8, window_bounds = array<i64: 384, 128>}, {pipeline_mode = #tpu.pipeline_mode<synchronous>, transform_indices = @transform_9, window_bounds = array<i64: 1, 384>}, {transform_indices = @transform_10, window_bounds = array<i64: 512, 128>}, {transform_indices = @transform_11, window_bounds = array<i64: 512, 128>}]} {
    %broadcast_in_dim3A = arith.constant 0.000000e+00 : f32
    %broadcast_in_dim3A_0 = vector.broadcast %broadcast_in_dim3A : f32 to vector<512x128xf32>
    %swap3A = arith.constant 0 : index
    %swap3A_1 = arith.constant 0 : index
    %swap3A_2 = vector.load %arg15[%swap3A, %swap3A_1] : memref<512x128xf32, #tpu.memory_space<vmem>>, vector<512x128xf32>
    tpu.vector_store %arg15[%swap3A, %swap3A_1], %broadcast_in_dim3A_0 {strides = array<i32>} : memref<512x128xf32, #tpu.memory_space<vmem>>, vector<512x128xf32>,
    %broadcast_in_dim3A_3 = arith.constant 0.000000e+00 : f32
    %broadcast_in_dim3A_4 = vector.broadcast %broadcast_in_dim3A_3 : f32 to vector<512x512xf32>
    %swap3A_5 = arith.constant 0 : index
    %swap3A_6 = arith.constant 0 : index
    %swap3A_7 = vector.load %arg16[%swap3A_5, %swap3A_6] : memref<512x512xf32, #tpu.memory_space<vmem>>, vector<512x512xf32>
    tpu.vector_store %arg16[%swap3A_5, %swap3A_6], %broadcast_in_dim3A_4 {strides = array<i32>} : memref<512x512xf32, #tpu.memory_space<vmem>>, vector<512x512xf32>,
    %get3A = arith.index_cast %arg0 : i32 to index
    %get3A_8 = memref.load %arg2[%get3A] : memref<8xi32, #tpu.memory_space<smem>>
    %while3A = arith.constant 0 : i32
    %while3A_9 = arith.constant 0 : i32
    %while3A_10 = arith.subi %get3A_8, %while3A : i32
    %while3A_11 = arith.addi %while3A, %while3A_10 : i32
    %while3A_12 = arith.constant 1 : i32
    %while3A_13 = arith.divsi %while3A_10, %while3A_12 : i32
    %while3A_14 = arith.muli %while3A_13, %while3A_12 : i32
    %while3A_15 = arith.addi %while3A, %while3A_14 : i32
    %while3A_16 = arith.constant 1 : i32
    %while3A_17 = scf.for %while3A_129 = %while3A to %while3A_15 step %while3A_16 iter_args(%while3A_130 = %while3A_9) -> (i32)  : i32 {
      %get3A_131 = arith.index_cast %arg0 : i32 to index
      %get3A_132 = memref.load %arg1[%get3A_131] : memref<8xi32, #tpu.memory_space<smem>>
      %mul3A_133 = arith.constant 768 : i32
      %mul3A_134 = arith.muli %while3A_129, %mul3A_133 : i32
      %add3A_135 = arith.addi %get3A_132, %mul3A_134 : i32
      %min3A = arith.constant 3328 : i32
      %min3A_136 = arith.minsi %add3A_135, %min3A : i32
      %multiple_of3A = tpu.assume_multiple %min3A_136, 128 : i32
      %mul3A_137 = arith.constant 512 : i32
      %mul3A_138 = arith.muli %arg0, %mul3A_137 : i32
      %get3A_139 = arith.constant 0 : index
      %get3A_140 = arith.index_cast %mul3A_138 : i32 to index
      %get3A_141 = vector.load %arg3[%get3A_139, %get3A_140] : memref<3x4096xf32, #tpu.memory_space<vmem>>, vector<3x512xf32>
      %get3A_142 = arith.constant 0 : index
      %get3A_143 = arith.index_cast %multiple_of3A : i32 to index
      %get3A_144 = vector.load %arg3[%get3A_142, %get3A_143] : memref<3x4096xf32, #tpu.memory_space<vmem>>, vector<3x768xf32>
      %dot_general3A_145 = arith.constant dense<0.000000e+00> : vector<512x768xf32>
      %dot_general3A_146 = tpu.matmul %get3A_141, %get3A_144, %dot_general3A_145 {dimension_numbers = #tpu.dot_dimension_numbers<[0], [0], [1], [1], [0, 1, 1, 1], [], []>, precision = #tpu.contract_precision<fp32>, transpose_lhs_hint = false} : vector<3x512xf32>, vector<3x768xf32>, vector<512x768xf32> -> vector<512x768xf32>
      %mul3A_147 = arith.constant 512 : i32
      %mul3A_148 = arith.muli %arg0, %mul3A_147 : i32
      %get3A_149 = arith.constant 0 : index
      %get3A_150 = arith.index_cast %mul3A_148 : i32 to index
      %get3A_151 = vector.load %arg4[%get3A_149, %get3A_150] : memref<1x4096xf32, #tpu.memory_space<vmem>>, vector<1x512xf32>
      %get3A_152 = vector.shape_cast %get3A_151 : vector<1x512xf32> to vector<512xf32>
      %broadcast_in_dim3A_153 = vector.shape_cast %get3A_152 : vector<512xf32> to vector<512x1xf32>
      %get3A_154 = arith.constant 0 : index
      %get3A_155 = arith.index_cast %multiple_of3A : i32 to index
      %get3A_156 = vector.load %arg4[%get3A_154, %get3A_155] : memref<1x4096xf32, #tpu.memory_space<vmem>>, vector<1x768xf32>
      %get3A_157 = vector.shape_cast %get3A_156 : vector<1x768xf32> to vector<768xf32>
      %broadcast_in_dim3A_158 = vector.shape_cast %get3A_157 : vector<768xf32> to vector<1x768xf32>
      %add3A_159 = vector.broadcast %broadcast_in_dim3A_153 : vector<512x1xf32> to vector<512x768xf32>
      %add3A_160 = vector.broadcast %broadcast_in_dim3A_158 : vector<1x768xf32> to vector<512x768xf32>
      %add3A_161 = arith.addf %add3A_159, %add3A_160 : vector<512x768xf32>
      %mul3A_162 = arith.constant 2.000000e+00 : f32
      %mul3A_163 = vector.broadcast %mul3A_162 : f32 to vector<512x768xf32>
      %mul3A_164 = arith.mulf %mul3A_163, %dot_general3A_146 : vector<512x768xf32>
      %sub3A_165 = arith.subf %add3A_161, %mul3A_164 : vector<512x768xf32>
      %max3A = arith.constant 0.000000e+00 : f32
      %max3A_166 = vector.broadcast %max3A : f32 to vector<512x768xf32>
      %max3A_167 = arith.maximumf %sub3A_165, %max3A_166 : vector<512x768xf32>
      %sqrt3A_168 = math.sqrt %max3A_167 : vector<512x768xf32>
      %mul3A_169 = arith.constant 512 : i32
      %mul3A_170 = arith.muli %arg0, %mul3A_169 : i32
      %get3A_171 = arith.constant 0 : index
      %get3A_172 = arith.index_cast %mul3A_170 : i32 to index
      %get3A_173 = vector.load %arg5[%get3A_171, %get3A_172] : memref<1x4096xi32, #tpu.memory_space<vmem>>, vector<1x512xi32>
      %get3A_174 = vector.shape_cast %get3A_173 : vector<1x512xi32> to vector<512xi32>
      %broadcast_in_dim3A_175 = vector.shape_cast %get3A_174 : vector<512xi32> to vector<512x1xi32>
      %get3A_176 = arith.constant 0 : index
      %get3A_177 = arith.index_cast %multiple_of3A : i32 to index
      %get3A_178 = vector.load %arg5[%get3A_176, %get3A_177] : memref<1x4096xi32, #tpu.memory_space<vmem>>, vector<1x768xi32>
      %get3A_179 = vector.shape_cast %get3A_178 : vector<1x768xi32> to vector<768xi32>
      %broadcast_in_dim3A_180 = vector.shape_cast %get3A_179 : vector<768xi32> to vector<1x768xi32>
      %mul3A_181 = arith.constant 512 : i32
      %mul3A_182 = arith.muli %arg0, %mul3A_181 : i32
      %iota3A = tpu.iota {dimensions = array<i32: 0>} : vector<512x768xi32>
      %add3A_183 = vector.broadcast %mul3A_182 : i32 to vector<512x768xi32>
      %add3A_184 = arith.addi %add3A_183, %iota3A : vector<512x768xi32>
      %iota3A_185 = tpu.iota {dimensions = array<i32: 1>} : vector<512x768xi32>
      %add3A_186 = vector.broadcast %multiple_of3A : i32 to vector<512x768xi32>
      %add3A_187 = arith.addi %add3A_186, %iota3A_185 : vector<512x768xi32>
      %le3A = arith.constant 2.000000e+00 : f32
      %le3A_188 = vector.broadcast %le3A : f32 to vector<512x768xf32>
      %le3A_189 = arith.cmpf ole, %sqrt3A_168, %le3A_188 : vector<512x768xf32>
      %eq3A = vector.broadcast %broadcast_in_dim3A_175 : vector<512x1xi32> to vector<512x768xi32>
      %eq3A_190 = vector.broadcast %broadcast_in_dim3A_180 : vector<1x768xi32> to vector<512x768xi32>
      %eq3A_191 = arith.cmpi eq, %eq3A, %eq3A_190 : vector<512x768xi32>
      %and3A = arith.andi %le3A_189, %eq3A_191 : vector<512x768xi1>
      %ge3A = vector.broadcast %add3A_135 : i32 to vector<512x768xi32>
      %ge3A_192 = arith.cmpi sge, %add3A_187, %ge3A : vector<512x768xi32>
      %and3A_193 = arith.andi %and3A, %ge3A_192 : vector<512x768xi1>
      %convert_element_type3A = arith.extui %and3A_193 : vector<512x768xi1> to vector<512x768xi32>
      %convert_element_type3A_194 = arith.sitofp %convert_element_type3A : vector<512x768xi32> to vector<512x768xf32>
      %eq3A_195 = arith.cmpi eq, %add3A_184, %add3A_187 : vector<512x768xi32>
      %ge3A_196 = vector.broadcast %add3A_135 : i32 to vector<512x768xi32>
      %ge3A_197 = arith.cmpi sge, %add3A_187, %ge3A_196 : vector<512x768xi32>
      %and3A_198 = arith.andi %eq3A_195, %ge3A_197 : vector<512x768xi1>
      %convert_element_type3A_199 = arith.extui %and3A_198 : vector<512x768xi1> to vector<512x768xi32>
      %convert_element_type3A_200 = arith.sitofp %convert_element_type3A_199 : vector<512x768xi32> to vector<512x768xf32>
      %sub3A_201 = arith.subf %convert_element_type3A_194, %convert_element_type3A_200 : vector<512x768xf32>
      %mul3A_202 = arith.mulf %sub3A_201, %sqrt3A_168 : vector<512x768xf32>
      %get3A_203 = arith.index_cast %multiple_of3A : i32 to index
      %get3A_204 = arith.constant 128 : index
      %get3A_205 = vector.load %arg6[%get3A_203, %get3A_204] : memref<4096x384xf32, #tpu.memory_space<vmem>>, vector<768x128xf32>
      %get3A_206 = arith.index_cast %multiple_of3A : i32 to index
      %get3A_207 = arith.constant 256 : index
      %get3A_208 = vector.load %arg6[%get3A_206, %get3A_207] : memref<4096x384xf32, #tpu.memory_space<vmem>>, vector<768x128xf32>
      %get3A_209 = arith.constant 0 : index
      %get3A_210 = arith.index_cast %multiple_of3A : i32 to index
      %get3A_211 = vector.load %arg3[%get3A_209, %get3A_210] : memref<3x4096xf32, #tpu.memory_space<vmem>>, vector<1x768xf32>
      %get3A_212 = vector.shape_cast %get3A_211 : vector<1x768xf32> to vector<768xf32>
      %broadcast_in_dim3A_213 = vector.shape_cast %get3A_212 : vector<768xf32> to vector<1x768xf32>
      %get3A_214 = arith.constant 1 : index
      %get3A_215 = arith.index_cast %multiple_of3A : i32 to index
      %get3A_216 = vector.load %arg3[%get3A_214, %get3A_215] : memref<3x4096xf32, #tpu.memory_space<vmem>>, vector<1x768xf32>
      %get3A_217 = vector.shape_cast %get3A_216 : vector<1x768xf32> to vector<768xf32>
      %broadcast_in_dim3A_218 = vector.shape_cast %get3A_217 : vector<768xf32> to vector<1x768xf32>
      %get3A_219 = arith.constant 2 : index
      %get3A_220 = arith.index_cast %multiple_of3A : i32 to index
      %get3A_221 = vector.load %arg3[%get3A_219, %get3A_220] : memref<3x4096xf32, #tpu.memory_space<vmem>>, vector<1x768xf32>
      %get3A_222 = vector.shape_cast %get3A_221 : vector<1x768xf32> to vector<768xf32>
      %broadcast_in_dim3A_223 = vector.shape_cast %get3A_222 : vector<768xf32> to vector<1x768xf32>
      %get3A_224 = arith.constant 0 : index
      %get3A_225 = arith.constant 0 : index
      %get3A_226 = vector.load %arg15[%get3A_224, %get3A_225] : memref<512x128xf32, #tpu.memory_space<vmem>>, vector<512x128xf32>
      %dot_general3A_227 = arith.constant dense<0.000000e+00> : vector<512x128xf32>
      %dot_general3A_228 = tpu.matmul %sub3A_201, %get3A_205, %dot_general3A_227 {dimension_numbers = #tpu.dot_dimension_numbers<[1], [0], [0], [1], [0, 0, 1, 1], [], []>, transpose_lhs_hint = false} : vector<512x768xf32>, vector<768x128xf32>, vector<512x128xf32> -> vector<512x128xf32>
      %add3A_229 = arith.addf %get3A_226, %dot_general3A_228 : vector<512x128xf32>
      %swap3A_230 = arith.constant 0 : index
      %swap3A_231 = arith.constant 0 : index
      %swap3A_232 = vector.load %arg15[%swap3A_230, %swap3A_231] : memref<512x128xf32, #tpu.memory_space<vmem>>, vector<512x128xf32>
      tpu.vector_store %arg15[%swap3A_230, %swap3A_231], %add3A_229 {strides = array<i32>} : memref<512x128xf32, #tpu.memory_space<vmem>>, vector<512x128xf32>,
      %get3A_233 = arith.constant 0 : index
      %get3A_234 = arith.constant 0 : index
      %get3A_235 = vector.load %arg16[%get3A_233, %get3A_234] : memref<512x512xf32, #tpu.memory_space<vmem>>, vector<512x128xf32>
      %dot_general3A_236 = arith.constant dense<0.000000e+00> : vector<512x128xf32>
      %dot_general3A_237 = tpu.matmul %mul3A_202, %get3A_208, %dot_general3A_236 {dimension_numbers = #tpu.dot_dimension_numbers<[1], [0], [0], [1], [0, 0, 1, 1], [], []>, transpose_lhs_hint = false} : vector<512x768xf32>, vector<768x128xf32>, vector<512x128xf32> -> vector<512x128xf32>
      %add3A_238 = arith.addf %get3A_235, %dot_general3A_237 : vector<512x128xf32>
      %swap3A_239 = arith.constant 0 : index
      %swap3A_240 = arith.constant 0 : index
      %swap3A_241 = vector.load %arg16[%swap3A_239, %swap3A_240] : memref<512x512xf32, #tpu.memory_space<vmem>>, vector<512x128xf32>
      tpu.vector_store %arg16[%swap3A_239, %swap3A_240], %add3A_238 {strides = array<i32>} : memref<512x512xf32, #tpu.memory_space<vmem>>, vector<512x128xf32>,
      %get3A_242 = arith.constant 0 : index
      %get3A_243 = arith.constant 128 : index
      %get3A_244 = vector.load %arg16[%get3A_242, %get3A_243] : memref<512x512xf32, #tpu.memory_space<vmem>>, vector<512x128xf32>
      %mul3A_245 = vector.broadcast %broadcast_in_dim3A_213 : vector<1x768xf32> to vector<512x768xf32>
      %mul3A_246 = arith.mulf %mul3A_202, %mul3A_245 : vector<512x768xf32>
      %dot_general3A_247 = arith.constant dense<0.000000e+00> : vector<512x128xf32>
      %dot_general3A_248 = tpu.matmul %mul3A_246, %get3A_208, %dot_general3A_247 {dimension_numbers = #tpu.dot_dimension_numbers<[1], [0], [0], [1], [0, 0, 1, 1], [], []>, transpose_lhs_hint = false} : vector<512x768xf32>, vector<768x128xf32>, vector<512x128xf32> -> vector<512x128xf32>
      %add3A_249 = arith.addf %get3A_244, %dot_general3A_248 : vector<512x128xf32>
      %swap3A_250 = arith.constant 0 : index
      %swap3A_251 = arith.constant 128 : index
      %swap3A_252 = vector.load %arg16[%swap3A_250, %swap3A_251] : memref<512x512xf32, #tpu.memory_space<vmem>>, vector<512x128xf32>
      tpu.vector_store %arg16[%swap3A_250, %swap3A_251], %add3A_249 {strides = array<i32>} : memref<512x512xf32, #tpu.memory_space<vmem>>, vector<512x128xf32>,
      %get3A_253 = arith.constant 0 : index
      %get3A_254 = arith.constant 256 : index
      %get3A_255 = vector.load %arg16[%get3A_253, %get3A_254] : memref<512x512xf32, #tpu.memory_space<vmem>>, vector<512x128xf32>
      %mul3A_256 = vector.broadcast %broadcast_in_dim3A_218 : vector<1x768xf32> to vector<512x768xf32>
      %mul3A_257 = arith.mulf %mul3A_202, %mul3A_256 : vector<512x768xf32>
      %dot_general3A_258 = arith.constant dense<0.000000e+00> : vector<512x128xf32>
      %dot_general3A_259 = tpu.matmul %mul3A_257, %get3A_208, %dot_general3A_258 {dimension_numbers = #tpu.dot_dimension_numbers<[1], [0], [0], [1], [0, 0, 1, 1], [], []>, transpose_lhs_hint = false} : vector<512x768xf32>, vector<768x128xf32>, vector<512x128xf32> -> vector<512x128xf32>
      %add3A_260 = arith.addf %get3A_255, %dot_general3A_259 : vector<512x128xf32>
      %swap3A_261 = arith.constant 0 : index
      %swap3A_262 = arith.constant 256 : index
      %swap3A_263 = vector.load %arg16[%swap3A_261, %swap3A_262] : memref<512x512xf32, #tpu.memory_space<vmem>>, vector<512x128xf32>
      tpu.vector_store %arg16[%swap3A_261, %swap3A_262], %add3A_260 {strides = array<i32>} : memref<512x512xf32, #tpu.memory_space<vmem>>, vector<512x128xf32>,
      %get3A_264 = arith.constant 0 : index
      %get3A_265 = arith.constant 384 : index
      %get3A_266 = vector.load %arg16[%get3A_264, %get3A_265] : memref<512x512xf32, #tpu.memory_space<vmem>>, vector<512x128xf32>
      %mul3A_267 = vector.broadcast %broadcast_in_dim3A_223 : vector<1x768xf32> to vector<512x768xf32>
      %mul3A_268 = arith.mulf %mul3A_202, %mul3A_267 : vector<512x768xf32>
      %dot_general3A_269 = arith.constant dense<0.000000e+00> : vector<512x128xf32>
      %dot_general3A_270 = tpu.matmul %mul3A_268, %get3A_208, %dot_general3A_269 {dimension_numbers = #tpu.dot_dimension_numbers<[1], [0], [0], [1], [0, 0, 1, 1], [], []>, transpose_lhs_hint = false} : vector<512x768xf32>, vector<768x128xf32>, vector<512x128xf32> -> vector<512x128xf32>
      %add3A_271 = arith.addf %get3A_266, %dot_general3A_270 : vector<512x128xf32>
      %swap3A_272 = arith.constant 0 : index
      %swap3A_273 = arith.constant 384 : index
      %swap3A_274 = vector.load %arg16[%swap3A_272, %swap3A_273] : memref<512x512xf32, #tpu.memory_space<vmem>>, vector<512x128xf32>
      tpu.vector_store %arg16[%swap3A_272, %swap3A_273], %add3A_271 {strides = array<i32>} : memref<512x512xf32, #tpu.memory_space<vmem>>, vector<512x128xf32>,
      %while3A_275 = arith.constant 0 : i32
      scf.yield %while3A_275 : i32
    }
    %while3A_18 = arith.constant 1 : i32
    %while3A_19 = scf.for %while3A_129 = %while3A_15 to %while3A_11 step %while3A_18 iter_args(%while3A_130 = %while3A_17) -> (i32)  : i32 {
      %get3A_131 = arith.index_cast %arg0 : i32 to index
      %get3A_132 = memref.load %arg1[%get3A_131] : memref<8xi32, #tpu.memory_space<smem>>
      %mul3A_133 = arith.constant 768 : i32
      %mul3A_134 = arith.muli %while3A_129, %mul3A_133 : i32
      %add3A_135 = arith.addi %get3A_132, %mul3A_134 : i32
      %min3A = arith.constant 3328 : i32
      %min3A_136 = arith.minsi %add3A_135, %min3A : i32
      %multiple_of3A = tpu.assume_multiple %min3A_136, 128 : i32
      %mul3A_137 = arith.constant 512 : i32
      %mul3A_138 = arith.muli %arg0, %mul3A_137 : i32
      %get3A_139 = arith.constant 0 : index
      %get3A_140 = arith.index_cast %mul3A_138 : i32 to index
      %get3A_141 = vector.load %arg3[%get3A_139, %get3A_140] : memref<3x4096xf32, #tpu.memory_space<vmem>>, vector<3x512xf32>
      %get3A_142 = arith.constant 0 : index
      %get3A_143 = arith.index_cast %multiple_of3A : i32 to index
      %get3A_144 = vector.load %arg3[%get3A_142, %get3A_143] : memref<3x4096xf32, #tpu.memory_space<vmem>>, vector<3x768xf32>
      %dot_general3A_145 = arith.constant dense<0.000000e+00> : vector<512x768xf32>
      %dot_general3A_146 = tpu.matmul %get3A_141, %get3A_144, %dot_general3A_145 {dimension_numbers = #tpu.dot_dimension_numbers<[0], [0], [1], [1], [0, 1, 1, 1], [], []>, precision = #tpu.contract_precision<fp32>, transpose_lhs_hint = false} : vector<3x512xf32>, vector<3x768xf32>, vector<512x768xf32> -> vector<512x768xf32>
      %mul3A_147 = arith.constant 512 : i32
      %mul3A_148 = arith.muli %arg0, %mul3A_147 : i32
      %get3A_149 = arith.constant 0 : index
      %get3A_150 = arith.index_cast %mul3A_148 : i32 to index
      %get3A_151 = vector.load %arg4[%get3A_149, %get3A_150] : memref<1x4096xf32, #tpu.memory_space<vmem>>, vector<1x512xf32>
      %get3A_152 = vector.shape_cast %get3A_151 : vector<1x512xf32> to vector<512xf32>
      %broadcast_in_dim3A_153 = vector.shape_cast %get3A_152 : vector<512xf32> to vector<512x1xf32>
      %get3A_154 = arith.constant 0 : index
      %get3A_155 = arith.index_cast %multiple_of3A : i32 to index
      %get3A_156 = vector.load %arg4[%get3A_154, %get3A_155] : memref<1x4096xf32, #tpu.memory_space<vmem>>, vector<1x768xf32>
      %get3A_157 = vector.shape_cast %get3A_156 : vector<1x768xf32> to vector<768xf32>
      %broadcast_in_dim3A_158 = vector.shape_cast %get3A_157 : vector<768xf32> to vector<1x768xf32>
      %add3A_159 = vector.broadcast %broadcast_in_dim3A_153 : vector<512x1xf32> to vector<512x768xf32>
      %add3A_160 = vector.broadcast %broadcast_in_dim3A_158 : vector<1x768xf32> to vector<512x768xf32>
      %add3A_161 = arith.addf %add3A_159, %add3A_160 : vector<512x768xf32>
      %mul3A_162 = arith.constant 2.000000e+00 : f32
      %mul3A_163 = vector.broadcast %mul3A_162 : f32 to vector<512x768xf32>
      %mul3A_164 = arith.mulf %mul3A_163, %dot_general3A_146 : vector<512x768xf32>
      %sub3A_165 = arith.subf %add3A_161, %mul3A_164 : vector<512x768xf32>
      %max3A = arith.constant 0.000000e+00 : f32
      %max3A_166 = vector.broadcast %max3A : f32 to vector<512x768xf32>
      %max3A_167 = arith.maximumf %sub3A_165, %max3A_166 : vector<512x768xf32>
      %sqrt3A_168 = math.sqrt %max3A_167 : vector<512x768xf32>
      %mul3A_169 = arith.constant 512 : i32
      %mul3A_170 = arith.muli %arg0, %mul3A_169 : i32
      %get3A_171 = arith.constant 0 : index
      %get3A_172 = arith.index_cast %mul3A_170 : i32 to index
      %get3A_173 = vector.load %arg5[%get3A_171, %get3A_172] : memref<1x4096xi32, #tpu.memory_space<vmem>>, vector<1x512xi32>
      %get3A_174 = vector.shape_cast %get3A_173 : vector<1x512xi32> to vector<512xi32>
      %broadcast_in_dim3A_175 = vector.shape_cast %get3A_174 : vector<512xi32> to vector<512x1xi32>
      %get3A_176 = arith.constant 0 : index
      %get3A_177 = arith.index_cast %multiple_of3A : i32 to index
      %get3A_178 = vector.load %arg5[%get3A_176, %get3A_177] : memref<1x4096xi32, #tpu.memory_space<vmem>>, vector<1x768xi32>
      %get3A_179 = vector.shape_cast %get3A_178 : vector<1x768xi32> to vector<768xi32>
      %broadcast_in_dim3A_180 = vector.shape_cast %get3A_179 : vector<768xi32> to vector<1x768xi32>
      %mul3A_181 = arith.constant 512 : i32
      %mul3A_182 = arith.muli %arg0, %mul3A_181 : i32
      %iota3A = tpu.iota {dimensions = array<i32: 0>} : vector<512x768xi32>
      %add3A_183 = vector.broadcast %mul3A_182 : i32 to vector<512x768xi32>
      %add3A_184 = arith.addi %add3A_183, %iota3A : vector<512x768xi32>
      %iota3A_185 = tpu.iota {dimensions = array<i32: 1>} : vector<512x768xi32>
      %add3A_186 = vector.broadcast %multiple_of3A : i32 to vector<512x768xi32>
      %add3A_187 = arith.addi %add3A_186, %iota3A_185 : vector<512x768xi32>
      %le3A = arith.constant 2.000000e+00 : f32
      %le3A_188 = vector.broadcast %le3A : f32 to vector<512x768xf32>
      %le3A_189 = arith.cmpf ole, %sqrt3A_168, %le3A_188 : vector<512x768xf32>
      %eq3A = vector.broadcast %broadcast_in_dim3A_175 : vector<512x1xi32> to vector<512x768xi32>
      %eq3A_190 = vector.broadcast %broadcast_in_dim3A_180 : vector<1x768xi32> to vector<512x768xi32>
      %eq3A_191 = arith.cmpi eq, %eq3A, %eq3A_190 : vector<512x768xi32>
      %and3A = arith.andi %le3A_189, %eq3A_191 : vector<512x768xi1>
      %ge3A = vector.broadcast %add3A_135 : i32 to vector<512x768xi32>
      %ge3A_192 = arith.cmpi sge, %add3A_187, %ge3A : vector<512x768xi32>
      %and3A_193 = arith.andi %and3A, %ge3A_192 : vector<512x768xi1>
      %convert_element_type3A = arith.extui %and3A_193 : vector<512x768xi1> to vector<512x768xi32>
      %convert_element_type3A_194 = arith.sitofp %convert_element_type3A : vector<512x768xi32> to vector<512x768xf32>
      %eq3A_195 = arith.cmpi eq, %add3A_184, %add3A_187 : vector<512x768xi32>
      %ge3A_196 = vector.broadcast %add3A_135 : i32 to vector<512x768xi32>
      %ge3A_197 = arith.cmpi sge, %add3A_187, %ge3A_196 : vector<512x768xi32>
      %and3A_198 = arith.andi %eq3A_195, %ge3A_197 : vector<512x768xi1>
      %convert_element_type3A_199 = arith.extui %and3A_198 : vector<512x768xi1> to vector<512x768xi32>
      %convert_element_type3A_200 = arith.sitofp %convert_element_type3A_199 : vector<512x768xi32> to vector<512x768xf32>
      %sub3A_201 = arith.subf %convert_element_type3A_194, %convert_element_type3A_200 : vector<512x768xf32>
      %mul3A_202 = arith.mulf %sub3A_201, %sqrt3A_168 : vector<512x768xf32>
      %get3A_203 = arith.index_cast %multiple_of3A : i32 to index
      %get3A_204 = arith.constant 128 : index
      %get3A_205 = vector.load %arg6[%get3A_203, %get3A_204] : memref<4096x384xf32, #tpu.memory_space<vmem>>, vector<768x128xf32>
      %get3A_206 = arith.index_cast %multiple_of3A : i32 to index
      %get3A_207 = arith.constant 256 : index
      %get3A_208 = vector.load %arg6[%get3A_206, %get3A_207] : memref<4096x384xf32, #tpu.memory_space<vmem>>, vector<768x128xf32>
      %get3A_209 = arith.constant 0 : index
      %get3A_210 = arith.index_cast %multiple_of3A : i32 to index
      %get3A_211 = vector.load %arg3[%get3A_209, %get3A_210] : memref<3x4096xf32, #tpu.memory_space<vmem>>, vector<1x768xf32>
      %get3A_212 = vector.shape_cast %get3A_211 : vector<1x768xf32> to vector<768xf32>
      %broadcast_in_dim3A_213 = vector.shape_cast %get3A_212 : vector<768xf32> to vector<1x768xf32>
      %get3A_214 = arith.constant 1 : index
      %get3A_215 = arith.index_cast %multiple_of3A : i32 to index
      %get3A_216 = vector.load %arg3[%get3A_214, %get3A_215] : memref<3x4096xf32, #tpu.memory_space<vmem>>, vector<1x768xf32>
      %get3A_217 = vector.shape_cast %get3A_216 : vector<1x768xf32> to vector<768xf32>
      %broadcast_in_dim3A_218 = vector.shape_cast %get3A_217 : vector<768xf32> to vector<1x768xf32>
      %get3A_219 = arith.constant 2 : index
      %get3A_220 = arith.index_cast %multiple_of3A : i32 to index
      %get3A_221 = vector.load %arg3[%get3A_219, %get3A_220] : memref<3x4096xf32, #tpu.memory_space<vmem>>, vector<1x768xf32>
      %get3A_222 = vector.shape_cast %get3A_221 : vector<1x768xf32> to vector<768xf32>
      %broadcast_in_dim3A_223 = vector.shape_cast %get3A_222 : vector<768xf32> to vector<1x768xf32>
      %get3A_224 = arith.constant 0 : index
      %get3A_225 = arith.constant 0 : index
      %get3A_226 = vector.load %arg15[%get3A_224, %get3A_225] : memref<512x128xf32, #tpu.memory_space<vmem>>, vector<512x128xf32>
      %dot_general3A_227 = arith.constant dense<0.000000e+00> : vector<512x128xf32>
      %dot_general3A_228 = tpu.matmul %sub3A_201, %get3A_205, %dot_general3A_227 {dimension_numbers = #tpu.dot_dimension_numbers<[1], [0], [0], [1], [0, 0, 1, 1], [], []>, transpose_lhs_hint = false} : vector<512x768xf32>, vector<768x128xf32>, vector<512x128xf32> -> vector<512x128xf32>
      %add3A_229 = arith.addf %get3A_226, %dot_general3A_228 : vector<512x128xf32>
      %swap3A_230 = arith.constant 0 : index
      %swap3A_231 = arith.constant 0 : index
      %swap3A_232 = vector.load %arg15[%swap3A_230, %swap3A_231] : memref<512x128xf32, #tpu.memory_space<vmem>>, vector<512x128xf32>
      tpu.vector_store %arg15[%swap3A_230, %swap3A_231], %add3A_229 {strides = array<i32>} : memref<512x128xf32, #tpu.memory_space<vmem>>, vector<512x128xf32>,
      %get3A_233 = arith.constant 0 : index
      %get3A_234 = arith.constant 0 : index
      %get3A_235 = vector.load %arg16[%get3A_233, %get3A_234] : memref<512x512xf32, #tpu.memory_space<vmem>>, vector<512x128xf32>
      %dot_general3A_236 = arith.constant dense<0.000000e+00> : vector<512x128xf32>
      %dot_general3A_237 = tpu.matmul %mul3A_202, %get3A_208, %dot_general3A_236 {dimension_numbers = #tpu.dot_dimension_numbers<[1], [0], [0], [1], [0, 0, 1, 1], [], []>, transpose_lhs_hint = false} : vector<512x768xf32>, vector<768x128xf32>, vector<512x128xf32> -> vector<512x128xf32>
      %add3A_238 = arith.addf %get3A_235, %dot_general3A_237 : vector<512x128xf32>
      %swap3A_239 = arith.constant 0 : index
      %swap3A_240 = arith.constant 0 : index
      %swap3A_241 = vector.load %arg16[%swap3A_239, %swap3A_240] : memref<512x512xf32, #tpu.memory_space<vmem>>, vector<512x128xf32>
      tpu.vector_store %arg16[%swap3A_239, %swap3A_240], %add3A_238 {strides = array<i32>} : memref<512x512xf32, #tpu.memory_space<vmem>>, vector<512x128xf32>,
      %get3A_242 = arith.constant 0 : index
      %get3A_243 = arith.constant 128 : index
      %get3A_244 = vector.load %arg16[%get3A_242, %get3A_243] : memref<512x512xf32, #tpu.memory_space<vmem>>, vector<512x128xf32>
      %mul3A_245 = vector.broadcast %broadcast_in_dim3A_213 : vector<1x768xf32> to vector<512x768xf32>
      %mul3A_246 = arith.mulf %mul3A_202, %mul3A_245 : vector<512x768xf32>
      %dot_general3A_247 = arith.constant dense<0.000000e+00> : vector<512x128xf32>
      %dot_general3A_248 = tpu.matmul %mul3A_246, %get3A_208, %dot_general3A_247 {dimension_numbers = #tpu.dot_dimension_numbers<[1], [0], [0], [1], [0, 0, 1, 1], [], []>, transpose_lhs_hint = false} : vector<512x768xf32>, vector<768x128xf32>, vector<512x128xf32> -> vector<512x128xf32>
      %add3A_249 = arith.addf %get3A_244, %dot_general3A_248 : vector<512x128xf32>
      %swap3A_250 = arith.constant 0 : index
      %swap3A_251 = arith.constant 128 : index
      %swap3A_252 = vector.load %arg16[%swap3A_250, %swap3A_251] : memref<512x512xf32, #tpu.memory_space<vmem>>, vector<512x128xf32>
      tpu.vector_store %arg16[%swap3A_250, %swap3A_251], %add3A_249 {strides = array<i32>} : memref<512x512xf32, #tpu.memory_space<vmem>>, vector<512x128xf32>,
      %get3A_253 = arith.constant 0 : index
      %get3A_254 = arith.constant 256 : index
      %get3A_255 = vector.load %arg16[%get3A_253, %get3A_254] : memref<512x512xf32, #tpu.memory_space<vmem>>, vector<512x128xf32>
      %mul3A_256 = vector.broadcast %broadcast_in_dim3A_218 : vector<1x768xf32> to vector<512x768xf32>
      %mul3A_257 = arith.mulf %mul3A_202, %mul3A_256 : vector<512x768xf32>
      %dot_general3A_258 = arith.constant dense<0.000000e+00> : vector<512x128xf32>
      %dot_general3A_259 = tpu.matmul %mul3A_257, %get3A_208, %dot_general3A_258 {dimension_numbers = #tpu.dot_dimension_numbers<[1], [0], [0], [1], [0, 0, 1, 1], [], []>, transpose_lhs_hint = false} : vector<512x768xf32>, vector<768x128xf32>, vector<512x128xf32> -> vector<512x128xf32>
      %add3A_260 = arith.addf %get3A_255, %dot_general3A_259 : vector<512x128xf32>
      %swap3A_261 = arith.constant 0 : index
      %swap3A_262 = arith.constant 256 : index
      %swap3A_263 = vector.load %arg16[%swap3A_261, %swap3A_262] : memref<512x512xf32, #tpu.memory_space<vmem>>, vector<512x128xf32>
      tpu.vector_store %arg16[%swap3A_261, %swap3A_262], %add3A_260 {strides = array<i32>} : memref<512x512xf32, #tpu.memory_space<vmem>>, vector<512x128xf32>,
      %get3A_264 = arith.constant 0 : index
      %get3A_265 = arith.constant 384 : index
      %get3A_266 = vector.load %arg16[%get3A_264, %get3A_265] : memref<512x512xf32, #tpu.memory_space<vmem>>, vector<512x128xf32>
      %mul3A_267 = vector.broadcast %broadcast_in_dim3A_223 : vector<1x768xf32> to vector<512x768xf32>
      %mul3A_268 = arith.mulf %mul3A_202, %mul3A_267 : vector<512x768xf32>
      %dot_general3A_269 = arith.constant dense<0.000000e+00> : vector<512x128xf32>
      %dot_general3A_270 = tpu.matmul %mul3A_268, %get3A_208, %dot_general3A_269 {dimension_numbers = #tpu.dot_dimension_numbers<[1], [0], [0], [1], [0, 0, 1, 1], [], []>, transpose_lhs_hint = false} : vector<512x768xf32>, vector<768x128xf32>, vector<512x128xf32> -> vector<512x128xf32>
      %add3A_271 = arith.addf %get3A_266, %dot_general3A_270 : vector<512x128xf32>
      %swap3A_272 = arith.constant 0 : index
      %swap3A_273 = arith.constant 384 : index
      %swap3A_274 = vector.load %arg16[%swap3A_272, %swap3A_273] : memref<512x512xf32, #tpu.memory_space<vmem>>, vector<512x128xf32>
      tpu.vector_store %arg16[%swap3A_272, %swap3A_273], %add3A_271 {strides = array<i32>} : memref<512x512xf32, #tpu.memory_space<vmem>>, vector<512x128xf32>,
      %while3A_275 = arith.constant 0 : i32
      scf.yield %while3A_275 : i32
    }
    %get3A_20 = arith.constant 0 : index
    %get3A_21 = arith.constant 0 : index
    %get3A_22 = vector.load %arg15[%get3A_20, %get3A_21] : memref<512x128xf32, #tpu.memory_space<vmem>>, vector<512x128xf32>
    %get3A_23 = arith.constant 0 : index
    %get3A_24 = arith.constant 0 : index
    %get3A_25 = vector.load %arg16[%get3A_23, %get3A_24] : memref<512x512xf32, #tpu.memory_space<vmem>>, vector<512x512xf32>
    %mul3A = arith.constant 512 : i32
    %mul3A_26 = arith.muli %arg0, %mul3A : i32
    %get3A_27 = arith.constant 0 : index
    %get3A_28 = arith.index_cast %mul3A_26 : i32 to index
    %get3A_29 = vector.load %arg3[%get3A_27, %get3A_28] : memref<3x4096xf32, #tpu.memory_space<vmem>>, vector<1x512xf32>
    %get3A_30 = vector.shape_cast %get3A_29 : vector<1x512xf32> to vector<512xf32>
    %broadcast_in_dim3A_31 = vector.shape_cast %get3A_30 : vector<512xf32> to vector<512x1xf32>
    %mul3A_32 = arith.constant 512 : i32
    %mul3A_33 = arith.muli %arg0, %mul3A_32 : i32
    %get3A_34 = arith.constant 1 : index
    %get3A_35 = arith.index_cast %mul3A_33 : i32 to index
    %get3A_36 = vector.load %arg3[%get3A_34, %get3A_35] : memref<3x4096xf32, #tpu.memory_space<vmem>>, vector<1x512xf32>
    %get3A_37 = vector.shape_cast %get3A_36 : vector<1x512xf32> to vector<512xf32>
    %broadcast_in_dim3A_38 = vector.shape_cast %get3A_37 : vector<512xf32> to vector<512x1xf32>
    %mul3A_39 = arith.constant 512 : i32
    %mul3A_40 = arith.muli %arg0, %mul3A_39 : i32
    %get3A_41 = arith.constant 2 : index
    %get3A_42 = arith.index_cast %mul3A_40 : i32 to index
    %get3A_43 = vector.load %arg3[%get3A_41, %get3A_42] : memref<3x4096xf32, #tpu.memory_space<vmem>>, vector<1x512xf32>
    %get3A_44 = vector.shape_cast %get3A_43 : vector<1x512xf32> to vector<512xf32>
    %broadcast_in_dim3A_45 = vector.shape_cast %get3A_44 : vector<512xf32> to vector<512x1xf32>
    %slice3A = vector.extract_strided_slice %get3A_25 {offsets = [0, 0], sizes = [512, 128], strides = [1, 1]} : vector<512x512xf32> to vector<512x128xf32>
    %mul3A_46 = vector.broadcast %broadcast_in_dim3A_31 : vector<512x1xf32> to vector<512x128xf32>
    %mul3A_47 = arith.mulf %mul3A_46, %slice3A : vector<512x128xf32>
    %slice3A_48 = vector.extract_strided_slice %get3A_25 {offsets = [0, 128], sizes = [512, 128], strides = [1, 1]} : vector<512x512xf32> to vector<512x128xf32>
    %sub3A = arith.subf %mul3A_47, %slice3A_48 : vector<512x128xf32>
    %mul3A_49 = vector.broadcast %broadcast_in_dim3A_38 : vector<512x1xf32> to vector<512x128xf32>
    %mul3A_50 = arith.mulf %mul3A_49, %slice3A : vector<512x128xf32>
    %slice3A_51 = vector.extract_strided_slice %get3A_25 {offsets = [0, 256], sizes = [512, 128], strides = [1, 1]} : vector<512x512xf32> to vector<512x128xf32>
    %sub3A_52 = arith.subf %mul3A_50, %slice3A_51 : vector<512x128xf32>
    %mul3A_53 = vector.broadcast %broadcast_in_dim3A_45 : vector<512x1xf32> to vector<512x128xf32>
    %mul3A_54 = arith.mulf %mul3A_53, %slice3A : vector<512x128xf32>
    %slice3A_55 = vector.extract_strided_slice %get3A_25 {offsets = [0, 384], sizes = [512, 128], strides = [1, 1]} : vector<512x512xf32> to vector<512x128xf32>
    %sub3A_56 = arith.subf %mul3A_54, %slice3A_55 : vector<512x128xf32>
    %mul3A_57 = arith.constant 512 : i32
    %mul3A_58 = arith.muli %arg0, %mul3A_57 : i32
    %get3A_59 = arith.index_cast %mul3A_58 : i32 to index
    %get3A_60 = arith.constant 0 : index
    %get3A_61 = vector.load %arg6[%get3A_59, %get3A_60] : memref<4096x384xf32, #tpu.memory_space<vmem>>, vector<512x128xf32>
    %add3A = arith.addf %get3A_61, %get3A_22 : vector<512x128xf32>
    %swap3A_62 = arith.constant 0 : index
    %swap3A_63 = arith.constant 0 : index
    %swap3A_64 = vector.load %arg13[%swap3A_62, %swap3A_63] : memref<512x128xf32, #tpu.memory_space<vmem>>, vector<512x128xf32>
    tpu.vector_store %arg13[%swap3A_62, %swap3A_63], %add3A {strides = array<i32>} : memref<512x128xf32, #tpu.memory_space<vmem>>, vector<512x128xf32>,
    %get3A_65 = arith.constant 0 : index
    %get3A_66 = arith.constant 0 : index
    %get3A_67 = vector.load %arg7[%get3A_65, %get3A_66] : memref<128x128xf32, #tpu.memory_space<vmem>>, vector<128x128xf32>
    %get3A_68 = arith.constant 0 : index
    %get3A_69 = arith.constant 0 : index
    %get3A_70 = vector.load %arg8[%get3A_68, %get3A_69] : memref<128x128xf32, #tpu.memory_space<vmem>>, vector<128x128xf32>
    %dot_general3A = arith.constant dense<0.000000e+00> : vector<512x128xf32>
    %dot_general3A_71 = tpu.matmul %sub3A, %get3A_67, %dot_general3A {dimension_numbers = #tpu.dot_dimension_numbers<[1], [1], [0], [0], [0, 0, 1, 0], [], []>, transpose_lhs_hint = false} : vector<512x128xf32>, vector<128x128xf32>, vector<512x128xf32> -> vector<512x128xf32>
    %dot_general3A_72 = arith.constant dense<0.000000e+00> : vector<512x128xf32>
    %dot_general3A_73 = tpu.matmul %sub3A_52, %get3A_67, %dot_general3A_72 {dimension_numbers = #tpu.dot_dimension_numbers<[1], [1], [0], [0], [0, 0, 1, 0], [], []>, transpose_lhs_hint = false} : vector<512x128xf32>, vector<128x128xf32>, vector<512x128xf32> -> vector<512x128xf32>
    %dot_general3A_74 = arith.constant dense<0.000000e+00> : vector<512x128xf32>
    %dot_general3A_75 = tpu.matmul %sub3A_56, %get3A_67, %dot_general3A_74 {dimension_numbers = #tpu.dot_dimension_numbers<[1], [1], [0], [0], [0, 0, 1, 0], [], []>, transpose_lhs_hint = false} : vector<512x128xf32>, vector<128x128xf32>, vector<512x128xf32> -> vector<512x128xf32>
    %dot_general3A_76 = arith.constant dense<0.000000e+00> : vector<512x128xf32>
    %dot_general3A_77 = tpu.matmul %sub3A, %get3A_70, %dot_general3A_76 {dimension_numbers = #tpu.dot_dimension_numbers<[1], [1], [0], [0], [0, 0, 1, 0], [], []>, transpose_lhs_hint = false} : vector<512x128xf32>, vector<128x128xf32>, vector<512x128xf32> -> vector<512x128xf32>
    %dot_general3A_78 = arith.constant dense<0.000000e+00> : vector<512x128xf32>
    %dot_general3A_79 = tpu.matmul %sub3A_52, %get3A_70, %dot_general3A_78 {dimension_numbers = #tpu.dot_dimension_numbers<[1], [1], [0], [0], [0, 0, 1, 0], [], []>, transpose_lhs_hint = false} : vector<512x128xf32>, vector<128x128xf32>, vector<512x128xf32> -> vector<512x128xf32>
    %dot_general3A_80 = arith.constant dense<0.000000e+00> : vector<512x128xf32>
    %dot_general3A_81 = tpu.matmul %sub3A_56, %get3A_70, %dot_general3A_80 {dimension_numbers = #tpu.dot_dimension_numbers<[1], [1], [0], [0], [0, 0, 1, 0], [], []>, transpose_lhs_hint = false} : vector<512x128xf32>, vector<128x128xf32>, vector<512x128xf32> -> vector<512x128xf32>
    %mul3A_82 = arith.mulf %dot_general3A_77, %dot_general3A_77 : vector<512x128xf32>
    %mul3A_83 = arith.mulf %dot_general3A_79, %dot_general3A_79 : vector<512x128xf32>
    %add3A_84 = arith.addf %mul3A_82, %mul3A_83 : vector<512x128xf32>
    %mul3A_85 = arith.mulf %dot_general3A_81, %dot_general3A_81 : vector<512x128xf32>
    %add3A_86 = arith.addf %add3A_84, %mul3A_85 : vector<512x128xf32>
    %sqrt3A = math.sqrt %add3A_86 : vector<512x128xf32>
    %concatenate3A = tpu.concatenate %add3A, %sqrt3A in 1 : vector<512x128xf32>, vector<512x128xf32> -> vector<512x256xf32>
    %get3A_87 = arith.constant 0 : index
    %get3A_88 = arith.constant 0 : index
    %get3A_89 = vector.load %arg9[%get3A_87, %get3A_88] : memref<128x256xf32, #tpu.memory_space<vmem>>, vector<128x256xf32>
    %dot_general3A_90 = arith.constant dense<0.000000e+00> : vector<512x128xf32>
    %dot_general3A_91 = tpu.matmul %concatenate3A, %get3A_89, %dot_general3A_90 {dimension_numbers = #tpu.dot_dimension_numbers<[1], [1], [0], [0], [0, 0, 1, 0], [], []>, precision = #tpu.contract_precision<fp32>, transpose_lhs_hint = false} : vector<512x256xf32>, vector<128x256xf32>, vector<512x128xf32> -> vector<512x128xf32>
    %get3A_92 = arith.constant 0 : index
    %get3A_93 = arith.constant 0 : index
    %get3A_94 = vector.load %arg10[%get3A_92, %get3A_93] : memref<1x128xf32, #tpu.memory_space<vmem>>, vector<1x128xf32>
    %get3A_95 = vector.shape_cast %get3A_94 : vector<1x128xf32> to vector<128xf32>
    %broadcast_in_dim3A_96 = vector.shape_cast %get3A_95 : vector<128xf32> to vector<1x128xf32>
    %add3A_97 = vector.broadcast %broadcast_in_dim3A_96 : vector<1x128xf32> to vector<512x128xf32>
    %add3A_98 = arith.addf %dot_general3A_91, %add3A_97 : vector<512x128xf32>
    %logistic3A = arith.negf %add3A_98 : vector<512x128xf32>
    %logistic3A_99 = math.exp %logistic3A : vector<512x128xf32>
    %logistic3A_100 = arith.constant 1.000000e+00 : f32
    %logistic3A_101 = vector.broadcast %logistic3A_100 : f32 to vector<512x128xf32>
    %logistic3A_102 = arith.addf %logistic3A_101, %logistic3A_99 : vector<512x128xf32>
    %logistic3A_103 = arith.divf %logistic3A_101, %logistic3A_102 : vector<512x128xf32>
    %mul3A_104 = arith.mulf %add3A_98, %logistic3A_103 : vector<512x128xf32>
    %get3A_105 = arith.constant 0 : index
    %get3A_106 = arith.constant 0 : index
    %get3A_107 = vector.load %arg11[%get3A_105, %get3A_106] : memref<384x128xf32, #tpu.memory_space<vmem>>, vector<384x128xf32>
    %dot_general3A_108 = arith.constant dense<0.000000e+00> : vector<512x384xf32>
    %dot_general3A_109 = tpu.matmul %mul3A_104, %get3A_107, %dot_general3A_108 {dimension_numbers = #tpu.dot_dimension_numbers<[1], [1], [0], [0], [0, 0, 1, 0], [], []>, precision = #tpu.contract_precision<fp32>, transpose_lhs_hint = false} : vector<512x128xf32>, vector<384x128xf32>, vector<512x384xf32> -> vector<512x384xf32>
    %get3A_110 = arith.constant 0 : index
    %get3A_111 = arith.constant 0 : index
    %get3A_112 = vector.load %arg12[%get3A_110, %get3A_111] : memref<1x384xf32, #tpu.memory_space<vmem>>, vector<1x384xf32>
    %get3A_113 = vector.shape_cast %get3A_112 : vector<1x384xf32> to vector<384xf32>
    %broadcast_in_dim3A_114 = vector.shape_cast %get3A_113 : vector<384xf32> to vector<1x384xf32>
    %add3A_115 = vector.broadcast %broadcast_in_dim3A_114 : vector<1x384xf32> to vector<512x384xf32>
    %add3A_116 = arith.addf %dot_general3A_109, %add3A_115 : vector<512x384xf32>
    %mul3A_117 = arith.mulf %dot_general3A_71, %dot_general3A_77 : vector<512x128xf32>
    %mul3A_118 = arith.mulf %dot_general3A_73, %dot_general3A_79 : vector<512x128xf32>
    %add3A_119 = arith.addf %mul3A_117, %mul3A_118 : vector<512x128xf32>
    %mul3A_120 = arith.mulf %dot_general3A_75, %dot_general3A_81 : vector<512x128xf32>
    %add3A_121 = arith.addf %add3A_119, %mul3A_120 : vector<512x128xf32>
    %slice3A_122 = vector.extract_strided_slice %add3A_116 {offsets = [0, 128], sizes = [512, 128], strides = [1, 1]} : vector<512x384xf32> to vector<512x128xf32>
    %slice3A_123 = vector.extract_strided_slice %add3A_116 {offsets = [0, 256], sizes = [512, 128], strides = [1, 1]} : vector<512x384xf32> to vector<512x128xf32>
    %mul3A_124 = arith.mulf %add3A_121, %slice3A_123 : vector<512x128xf32>
    %add3A_125 = arith.addf %slice3A_122, %mul3A_124 : vector<512x128xf32>
    %swap3A_126 = arith.constant 0 : index
    %swap3A_127 = arith.constant 0 : index
    %swap3A_128 = vector.load %arg14[%swap3A_126, %swap3A_127] : memref<512x128xf32, #tpu.memory_space<vmem>>, vector<512x128xf32>
    tpu.vector_store %arg14[%swap3A_126, %swap3A_127], %add3A_125 {strides = array<i32>} : memref<512x128xf32, #tpu.memory_space<vmem>>, vector<512x128xf32>,
    return
  }
  func.func @transform_0(%arg0: i32, %arg1: memref<8xi32, #tpu.memory_space<smem>>, %arg2: memref<8xi32, #tpu.memory_space<smem>>) -> (i32, i32) {
    %c0_i32 = arith.constant 0 : i32
    %c0_i32_0 = arith.constant 0 : i32
    %c0_i32_1 = arith.constant 0 : i32
    return %c0_i32, %c0_i32_0 : i32, i32
  }
  func.func @transform_1(%arg0: i32, %arg1: memref<8xi32, #tpu.memory_space<smem>>, %arg2: memref<8xi32, #tpu.memory_space<smem>>) -> (i32, i32) {
    %c0_i32 = arith.constant 0 : i32
    %c0_i32_0 = arith.constant 0 : i32
    %c0_i32_1 = arith.constant 0 : i32
    return %c0_i32, %c0_i32_0 : i32, i32
  }
  func.func @transform_2(%arg0: i32, %arg1: memref<8xi32, #tpu.memory_space<smem>>, %arg2: memref<8xi32, #tpu.memory_space<smem>>) -> (i32, i32) {
    %c0_i32 = arith.constant 0 : i32
    %c0_i32_0 = arith.constant 0 : i32
    %c0_i32_1 = arith.constant 0 : i32
    return %c0_i32, %c0_i32_0 : i32, i32
  }
  func.func @transform_3(%arg0: i32, %arg1: memref<8xi32, #tpu.memory_space<smem>>, %arg2: memref<8xi32, #tpu.memory_space<smem>>) -> (i32, i32) {
    %c0_i32 = arith.constant 0 : i32
    %c0_i32_0 = arith.constant 0 : i32
    %c0_i32_1 = arith.constant 0 : i32
    return %c0_i32, %c0_i32_0 : i32, i32
  }
  func.func @transform_4(%arg0: i32, %arg1: memref<8xi32, #tpu.memory_space<smem>>, %arg2: memref<8xi32, #tpu.memory_space<smem>>) -> (i32, i32) {
    %c0_i32 = arith.constant 0 : i32
    %c0_i32_0 = arith.constant 0 : i32
    %c0_i32_1 = arith.constant 0 : i32
    return %c0_i32, %c0_i32_0 : i32, i32
  }
  func.func @transform_5(%arg0: i32, %arg1: memref<8xi32, #tpu.memory_space<smem>>, %arg2: memref<8xi32, #tpu.memory_space<smem>>) -> (i32, i32) {
    %c0_i32 = arith.constant 0 : i32
    %c0_i32_0 = arith.constant 0 : i32
    %c0_i32_1 = arith.constant 0 : i32
    return %c0_i32, %c0_i32_0 : i32, i32
  }
  func.func @transform_6(%arg0: i32, %arg1: memref<8xi32, #tpu.memory_space<smem>>, %arg2: memref<8xi32, #tpu.memory_space<smem>>) -> (i32, i32) {
    %c0_i32 = arith.constant 0 : i32
    %c0_i32_0 = arith.constant 0 : i32
    %c0_i32_1 = arith.constant 0 : i32
    return %c0_i32, %c0_i32_0 : i32, i32
  }
  func.func @transform_7(%arg0: i32, %arg1: memref<8xi32, #tpu.memory_space<smem>>, %arg2: memref<8xi32, #tpu.memory_space<smem>>) -> (i32, i32) {
    %c0_i32 = arith.constant 0 : i32
    %c0_i32_0 = arith.constant 0 : i32
    %c0_i32_1 = arith.constant 0 : i32
    return %c0_i32, %c0_i32_0 : i32, i32
  }
  func.func @transform_8(%arg0: i32, %arg1: memref<8xi32, #tpu.memory_space<smem>>, %arg2: memref<8xi32, #tpu.memory_space<smem>>) -> (i32, i32) {
    %c0_i32 = arith.constant 0 : i32
    %c0_i32_0 = arith.constant 0 : i32
    %c0_i32_1 = arith.constant 0 : i32
    return %c0_i32, %c0_i32_0 : i32, i32
  }
  func.func @transform_9(%arg0: i32, %arg1: memref<8xi32, #tpu.memory_space<smem>>, %arg2: memref<8xi32, #tpu.memory_space<smem>>) -> (i32, i32) {
    %c0_i32 = arith.constant 0 : i32
    %c0_i32_0 = arith.constant 0 : i32
    %c0_i32_1 = arith.constant 0 : i32
    return %c0_i32, %c0_i32_0 : i32, i32
  }
  func.func @transform_10(%arg0: i32, %arg1: memref<8xi32, #tpu.memory_space<smem>>, %arg2: memref<8xi32, #tpu.memory_space<smem>>) -> (i32, i32) {
    %c0_i32 = arith.constant 0 : i32
    %c0_i32_0 = arith.constant 0 : i32
    return %arg0, %c0_i32 : i32, i32
  }
  func.func @transform_11(%arg0: i32, %arg1: memref<8xi32, #tpu.memory_space<smem>>, %arg2: memref<8xi32, #tpu.memory_space<smem>>) -> (i32, i32) {
    %c0_i32 = arith.constant 0 : i32
    %c0_i32_0 = arith.constant 0 : i32
    return %arg0, %c0_i32 : i32, i32
  }
}

module attributes {stable_mosaic.version = 14 : i64} {
  func.func @_agg2_kernel(%arg0: i32, %arg1: memref<8xi32, #tpu.memory_space<smem>>, %arg2: memref<8xi32, #tpu.memory_space<smem>>, %arg3: memref<3x4096xf32, #tpu.memory_space<vmem>>, %arg4: memref<1x4096xf32, #tpu.memory_space<vmem>>, %arg5: memref<1x4096xi32, #tpu.memory_space<vmem>>, %arg6: memref<4096x128xf32, #tpu.memory_space<vmem>>, %arg7: memref<512x128xf32, #tpu.memory_space<vmem>>, %arg8: memref<128x128xf32, #tpu.memory_space<vmem>>, %arg9: memref<1x128xf32, #tpu.memory_space<vmem>>, %arg10: memref<1x128xf32, #tpu.memory_space<vmem>>, %arg11: memref<1x1xf32, #tpu.memory_space<vmem>>, %arg12: memref<1x128xf32, #tpu.memory_space<vmem>>, %arg13: memref<512x128xf32, #tpu.memory_space<vmem>>) attributes {dimension_semantics = [#tpu.dimension_semantics<arbitrary>], iteration_bounds = array<i64: 8>, scalar_prefetch = 2 : i64, scratch_operands = 1 : i64, tpu.core_type = #tpu.core_type<tc>, window_params = [{pipeline_mode = #tpu.pipeline_mode<synchronous>, transform_indices = @transform_0, window_bounds = array<i64: 3, 4096>}, {pipeline_mode = #tpu.pipeline_mode<synchronous>, transform_indices = @transform_1, window_bounds = array<i64: 1, 4096>}, {pipeline_mode = #tpu.pipeline_mode<synchronous>, transform_indices = @transform_2, window_bounds = array<i64: 1, 4096>}, {pipeline_mode = #tpu.pipeline_mode<synchronous>, transform_indices = @transform_3, window_bounds = array<i64: 4096, 128>}, {transform_indices = @transform_4, window_bounds = array<i64: 512, 128>}, {pipeline_mode = #tpu.pipeline_mode<synchronous>, transform_indices = @transform_5, window_bounds = array<i64: 128, 128>}, {pipeline_mode = #tpu.pipeline_mode<synchronous>, transform_indices = @transform_6, window_bounds = array<i64: 1, 128>}, {pipeline_mode = #tpu.pipeline_mode<synchronous>, transform_indices = @transform_7, window_bounds = array<i64: 1, 128>}, {pipeline_mode = #tpu.pipeline_mode<synchronous>, transform_indices = @transform_8, window_bounds = array<i64: 1, 1>}, {pipeline_mode = #tpu.pipeline_mode<synchronous>, transform_indices = @transform_9, window_bounds = array<i64: 1, 128>}]} {
    %broadcast_in_dim3A = arith.constant 0.000000e+00 : f32
    %broadcast_in_dim3A_0 = vector.broadcast %broadcast_in_dim3A : f32 to vector<512x128xf32>
    %swap3A = arith.constant 0 : index
    %swap3A_1 = arith.constant 0 : index
    %swap3A_2 = vector.load %arg13[%swap3A, %swap3A_1] : memref<512x128xf32, #tpu.memory_space<vmem>>, vector<512x128xf32>
    tpu.vector_store %arg13[%swap3A, %swap3A_1], %broadcast_in_dim3A_0 {strides = array<i32>} : memref<512x128xf32, #tpu.memory_space<vmem>>, vector<512x128xf32>,
    %eq3A = arith.constant 0 : i32
    %eq3A_3 = arith.cmpi eq, %arg0, %eq3A : i32
    %convert_element_type3A = arith.extui %eq3A_3 : i1 to i32
    %cond3A = arith.constant 0 : i32
    %cond3A_4 = arith.cmpi ne, %convert_element_type3A, %cond3A : i32
    scf.if %cond3A_4 {
      %broadcast_in_dim3A_77 = arith.constant 0.000000e+00 : f32
      %broadcast_in_dim3A_78 = vector.broadcast %broadcast_in_dim3A_77 : f32 to vector<1x128xf32>
      %swap3A_79 = arith.constant 0 : index
      %swap3A_80 = arith.constant 0 : index
      %swap3A_81 = vector.load %arg12[%swap3A_79, %swap3A_80] : memref<1x128xf32, #tpu.memory_space<vmem>>, vector<1x128xf32>
      tpu.vector_store %arg12[%swap3A_79, %swap3A_80], %broadcast_in_dim3A_78 {strides = array<i32>} : memref<1x128xf32, #tpu.memory_space<vmem>>, vector<1x128xf32>,
    } else {
    }
    %get3A = arith.index_cast %arg0 : i32 to index
    %get3A_5 = memref.load %arg2[%get3A] : memref<8xi32, #tpu.memory_space<smem>>
    %while3A = arith.constant 0 : i32
    %while3A_6 = arith.constant 0 : i32
    %while3A_7 = arith.subi %get3A_5, %while3A : i32
    %while3A_8 = arith.addi %while3A, %while3A_7 : i32
    %while3A_9 = arith.constant 1 : i32
    %while3A_10 = arith.divsi %while3A_7, %while3A_9 : i32
    %while3A_11 = arith.muli %while3A_10, %while3A_9 : i32
    %while3A_12 = arith.addi %while3A, %while3A_11 : i32
    %while3A_13 = arith.constant 1 : i32
    %while3A_14 = scf.for %while3A_77 = %while3A to %while3A_12 step %while3A_13 iter_args(%while3A_78 = %while3A_6) -> (i32)  : i32 {
      %get3A_79 = arith.index_cast %arg0 : i32 to index
      %get3A_80 = memref.load %arg1[%get3A_79] : memref<8xi32, #tpu.memory_space<smem>>
      %mul3A_81 = arith.constant 768 : i32
      %mul3A_82 = arith.muli %while3A_77, %mul3A_81 : i32
      %add3A_83 = arith.addi %get3A_80, %mul3A_82 : i32
      %min3A = arith.constant 3328 : i32
      %min3A_84 = arith.minsi %add3A_83, %min3A : i32
      %multiple_of3A = tpu.assume_multiple %min3A_84, 128 : i32
      %mul3A_85 = arith.constant 512 : i32
      %mul3A_86 = arith.muli %arg0, %mul3A_85 : i32
      %get3A_87 = arith.constant 0 : index
      %get3A_88 = arith.index_cast %mul3A_86 : i32 to index
      %get3A_89 = vector.load %arg3[%get3A_87, %get3A_88] : memref<3x4096xf32, #tpu.memory_space<vmem>>, vector<3x512xf32>
      %get3A_90 = arith.constant 0 : index
      %get3A_91 = arith.index_cast %multiple_of3A : i32 to index
      %get3A_92 = vector.load %arg3[%get3A_90, %get3A_91] : memref<3x4096xf32, #tpu.memory_space<vmem>>, vector<3x768xf32>
      %dot_general3A_93 = arith.constant dense<0.000000e+00> : vector<512x768xf32>
      %dot_general3A_94 = tpu.matmul %get3A_89, %get3A_92, %dot_general3A_93 {dimension_numbers = #tpu.dot_dimension_numbers<[0], [0], [1], [1], [0, 1, 1, 1], [], []>, precision = #tpu.contract_precision<fp32>, transpose_lhs_hint = false} : vector<3x512xf32>, vector<3x768xf32>, vector<512x768xf32> -> vector<512x768xf32>
      %mul3A_95 = arith.constant 512 : i32
      %mul3A_96 = arith.muli %arg0, %mul3A_95 : i32
      %get3A_97 = arith.constant 0 : index
      %get3A_98 = arith.index_cast %mul3A_96 : i32 to index
      %get3A_99 = vector.load %arg4[%get3A_97, %get3A_98] : memref<1x4096xf32, #tpu.memory_space<vmem>>, vector<1x512xf32>
      %get3A_100 = vector.shape_cast %get3A_99 : vector<1x512xf32> to vector<512xf32>
      %broadcast_in_dim3A_101 = vector.shape_cast %get3A_100 : vector<512xf32> to vector<512x1xf32>
      %get3A_102 = arith.constant 0 : index
      %get3A_103 = arith.index_cast %multiple_of3A : i32 to index
      %get3A_104 = vector.load %arg4[%get3A_102, %get3A_103] : memref<1x4096xf32, #tpu.memory_space<vmem>>, vector<1x768xf32>
      %get3A_105 = vector.shape_cast %get3A_104 : vector<1x768xf32> to vector<768xf32>
      %broadcast_in_dim3A_106 = vector.shape_cast %get3A_105 : vector<768xf32> to vector<1x768xf32>
      %add3A_107 = vector.broadcast %broadcast_in_dim3A_101 : vector<512x1xf32> to vector<512x768xf32>
      %add3A_108 = vector.broadcast %broadcast_in_dim3A_106 : vector<1x768xf32> to vector<512x768xf32>
      %add3A_109 = arith.addf %add3A_107, %add3A_108 : vector<512x768xf32>
      %mul3A_110 = arith.constant 2.000000e+00 : f32
      %mul3A_111 = vector.broadcast %mul3A_110 : f32 to vector<512x768xf32>
      %mul3A_112 = arith.mulf %mul3A_111, %dot_general3A_94 : vector<512x768xf32>
      %sub3A = arith.subf %add3A_109, %mul3A_112 : vector<512x768xf32>
      %max3A = arith.constant 0.000000e+00 : f32
      %max3A_113 = vector.broadcast %max3A : f32 to vector<512x768xf32>
      %max3A_114 = arith.maximumf %sub3A, %max3A_113 : vector<512x768xf32>
      %sqrt3A = math.sqrt %max3A_114 : vector<512x768xf32>
      %mul3A_115 = arith.constant 512 : i32
      %mul3A_116 = arith.muli %arg0, %mul3A_115 : i32
      %get3A_117 = arith.constant 0 : index
      %get3A_118 = arith.index_cast %mul3A_116 : i32 to index
      %get3A_119 = vector.load %arg5[%get3A_117, %get3A_118] : memref<1x4096xi32, #tpu.memory_space<vmem>>, vector<1x512xi32>
      %get3A_120 = vector.shape_cast %get3A_119 : vector<1x512xi32> to vector<512xi32>
      %broadcast_in_dim3A_121 = vector.shape_cast %get3A_120 : vector<512xi32> to vector<512x1xi32>
      %get3A_122 = arith.constant 0 : index
      %get3A_123 = arith.index_cast %multiple_of3A : i32 to index
      %get3A_124 = vector.load %arg5[%get3A_122, %get3A_123] : memref<1x4096xi32, #tpu.memory_space<vmem>>, vector<1x768xi32>
      %get3A_125 = vector.shape_cast %get3A_124 : vector<1x768xi32> to vector<768xi32>
      %broadcast_in_dim3A_126 = vector.shape_cast %get3A_125 : vector<768xi32> to vector<1x768xi32>
      %mul3A_127 = arith.constant 512 : i32
      %mul3A_128 = arith.muli %arg0, %mul3A_127 : i32
      %iota3A_129 = tpu.iota {dimensions = array<i32: 0>} : vector<512x768xi32>
      %add3A_130 = vector.broadcast %mul3A_128 : i32 to vector<512x768xi32>
      %add3A_131 = arith.addi %add3A_130, %iota3A_129 : vector<512x768xi32>
      %iota3A_132 = tpu.iota {dimensions = array<i32: 1>} : vector<512x768xi32>
      %add3A_133 = vector.broadcast %multiple_of3A : i32 to vector<512x768xi32>
      %add3A_134 = arith.addi %add3A_133, %iota3A_132 : vector<512x768xi32>
      %le3A = arith.constant 2.000000e+00 : f32
      %le3A_135 = vector.broadcast %le3A : f32 to vector<512x768xf32>
      %le3A_136 = arith.cmpf ole, %sqrt3A, %le3A_135 : vector<512x768xf32>
      %eq3A_137 = vector.broadcast %broadcast_in_dim3A_121 : vector<512x1xi32> to vector<512x768xi32>
      %eq3A_138 = vector.broadcast %broadcast_in_dim3A_126 : vector<1x768xi32> to vector<512x768xi32>
      %eq3A_139 = arith.cmpi eq, %eq3A_137, %eq3A_138 : vector<512x768xi32>
      %and3A = arith.andi %le3A_136, %eq3A_139 : vector<512x768xi1>
      %ge3A = vector.broadcast %add3A_83 : i32 to vector<512x768xi32>
      %ge3A_140 = arith.cmpi sge, %add3A_134, %ge3A : vector<512x768xi32>
      %and3A_141 = arith.andi %and3A, %ge3A_140 : vector<512x768xi1>
      %convert_element_type3A_142 = arith.extui %and3A_141 : vector<512x768xi1> to vector<512x768xi32>
      %convert_element_type3A_143 = arith.sitofp %convert_element_type3A_142 : vector<512x768xi32> to vector<512x768xf32>
      %eq3A_144 = arith.cmpi eq, %add3A_131, %add3A_134 : vector<512x768xi32>
      %ge3A_145 = vector.broadcast %add3A_83 : i32 to vector<512x768xi32>
      %ge3A_146 = arith.cmpi sge, %add3A_134, %ge3A_145 : vector<512x768xi32>
      %and3A_147 = arith.andi %eq3A_144, %ge3A_146 : vector<512x768xi1>
      %convert_element_type3A_148 = arith.extui %and3A_147 : vector<512x768xi1> to vector<512x768xi32>
      %convert_element_type3A_149 = arith.sitofp %convert_element_type3A_148 : vector<512x768xi32> to vector<512x768xf32>
      %sub3A_150 = arith.subf %convert_element_type3A_143, %convert_element_type3A_149 : vector<512x768xf32>
      %get3A_151 = arith.index_cast %multiple_of3A : i32 to index
      %get3A_152 = arith.constant 0 : index
      %get3A_153 = vector.load %arg6[%get3A_151, %get3A_152] : memref<4096x128xf32, #tpu.memory_space<vmem>>, vector<768x128xf32>
      %get3A_154 = arith.constant 0 : index
      %get3A_155 = arith.constant 0 : index
      %get3A_156 = vector.load %arg13[%get3A_154, %get3A_155] : memref<512x128xf32, #tpu.memory_space<vmem>>, vector<512x128xf32>
      %dot_general3A_157 = arith.constant dense<0.000000e+00> : vector<512x128xf32>
      %dot_general3A_158 = tpu.matmul %sub3A_150, %get3A_153, %dot_general3A_157 {dimension_numbers = #tpu.dot_dimension_numbers<[1], [0], [0], [1], [0, 0, 1, 1], [], []>, transpose_lhs_hint = false} : vector<512x768xf32>, vector<768x128xf32>, vector<512x128xf32> -> vector<512x128xf32>
      %add3A_159 = arith.addf %get3A_156, %dot_general3A_158 : vector<512x128xf32>
      %swap3A_160 = arith.constant 0 : index
      %swap3A_161 = arith.constant 0 : index
      %swap3A_162 = vector.load %arg13[%swap3A_160, %swap3A_161] : memref<512x128xf32, #tpu.memory_space<vmem>>, vector<512x128xf32>
      tpu.vector_store %arg13[%swap3A_160, %swap3A_161], %add3A_159 {strides = array<i32>} : memref<512x128xf32, #tpu.memory_space<vmem>>, vector<512x128xf32>,
      %while3A_163 = arith.constant 0 : i32
      scf.yield %while3A_163 : i32
    }
    %while3A_15 = arith.constant 1 : i32
    %while3A_16 = scf.for %while3A_77 = %while3A_12 to %while3A_8 step %while3A_15 iter_args(%while3A_78 = %while3A_14) -> (i32)  : i32 {
      %get3A_79 = arith.index_cast %arg0 : i32 to index
      %get3A_80 = memref.load %arg1[%get3A_79] : memref<8xi32, #tpu.memory_space<smem>>
      %mul3A_81 = arith.constant 768 : i32
      %mul3A_82 = arith.muli %while3A_77, %mul3A_81 : i32
      %add3A_83 = arith.addi %get3A_80, %mul3A_82 : i32
      %min3A = arith.constant 3328 : i32
      %min3A_84 = arith.minsi %add3A_83, %min3A : i32
      %multiple_of3A = tpu.assume_multiple %min3A_84, 128 : i32
      %mul3A_85 = arith.constant 512 : i32
      %mul3A_86 = arith.muli %arg0, %mul3A_85 : i32
      %get3A_87 = arith.constant 0 : index
      %get3A_88 = arith.index_cast %mul3A_86 : i32 to index
      %get3A_89 = vector.load %arg3[%get3A_87, %get3A_88] : memref<3x4096xf32, #tpu.memory_space<vmem>>, vector<3x512xf32>
      %get3A_90 = arith.constant 0 : index
      %get3A_91 = arith.index_cast %multiple_of3A : i32 to index
      %get3A_92 = vector.load %arg3[%get3A_90, %get3A_91] : memref<3x4096xf32, #tpu.memory_space<vmem>>, vector<3x768xf32>
      %dot_general3A_93 = arith.constant dense<0.000000e+00> : vector<512x768xf32>
      %dot_general3A_94 = tpu.matmul %get3A_89, %get3A_92, %dot_general3A_93 {dimension_numbers = #tpu.dot_dimension_numbers<[0], [0], [1], [1], [0, 1, 1, 1], [], []>, precision = #tpu.contract_precision<fp32>, transpose_lhs_hint = false} : vector<3x512xf32>, vector<3x768xf32>, vector<512x768xf32> -> vector<512x768xf32>
      %mul3A_95 = arith.constant 512 : i32
      %mul3A_96 = arith.muli %arg0, %mul3A_95 : i32
      %get3A_97 = arith.constant 0 : index
      %get3A_98 = arith.index_cast %mul3A_96 : i32 to index
      %get3A_99 = vector.load %arg4[%get3A_97, %get3A_98] : memref<1x4096xf32, #tpu.memory_space<vmem>>, vector<1x512xf32>
      %get3A_100 = vector.shape_cast %get3A_99 : vector<1x512xf32> to vector<512xf32>
      %broadcast_in_dim3A_101 = vector.shape_cast %get3A_100 : vector<512xf32> to vector<512x1xf32>
      %get3A_102 = arith.constant 0 : index
      %get3A_103 = arith.index_cast %multiple_of3A : i32 to index
      %get3A_104 = vector.load %arg4[%get3A_102, %get3A_103] : memref<1x4096xf32, #tpu.memory_space<vmem>>, vector<1x768xf32>
      %get3A_105 = vector.shape_cast %get3A_104 : vector<1x768xf32> to vector<768xf32>
      %broadcast_in_dim3A_106 = vector.shape_cast %get3A_105 : vector<768xf32> to vector<1x768xf32>
      %add3A_107 = vector.broadcast %broadcast_in_dim3A_101 : vector<512x1xf32> to vector<512x768xf32>
      %add3A_108 = vector.broadcast %broadcast_in_dim3A_106 : vector<1x768xf32> to vector<512x768xf32>
      %add3A_109 = arith.addf %add3A_107, %add3A_108 : vector<512x768xf32>
      %mul3A_110 = arith.constant 2.000000e+00 : f32
      %mul3A_111 = vector.broadcast %mul3A_110 : f32 to vector<512x768xf32>
      %mul3A_112 = arith.mulf %mul3A_111, %dot_general3A_94 : vector<512x768xf32>
      %sub3A = arith.subf %add3A_109, %mul3A_112 : vector<512x768xf32>
      %max3A = arith.constant 0.000000e+00 : f32
      %max3A_113 = vector.broadcast %max3A : f32 to vector<512x768xf32>
      %max3A_114 = arith.maximumf %sub3A, %max3A_113 : vector<512x768xf32>
      %sqrt3A = math.sqrt %max3A_114 : vector<512x768xf32>
      %mul3A_115 = arith.constant 512 : i32
      %mul3A_116 = arith.muli %arg0, %mul3A_115 : i32
      %get3A_117 = arith.constant 0 : index
      %get3A_118 = arith.index_cast %mul3A_116 : i32 to index
      %get3A_119 = vector.load %arg5[%get3A_117, %get3A_118] : memref<1x4096xi32, #tpu.memory_space<vmem>>, vector<1x512xi32>
      %get3A_120 = vector.shape_cast %get3A_119 : vector<1x512xi32> to vector<512xi32>
      %broadcast_in_dim3A_121 = vector.shape_cast %get3A_120 : vector<512xi32> to vector<512x1xi32>
      %get3A_122 = arith.constant 0 : index
      %get3A_123 = arith.index_cast %multiple_of3A : i32 to index
      %get3A_124 = vector.load %arg5[%get3A_122, %get3A_123] : memref<1x4096xi32, #tpu.memory_space<vmem>>, vector<1x768xi32>
      %get3A_125 = vector.shape_cast %get3A_124 : vector<1x768xi32> to vector<768xi32>
      %broadcast_in_dim3A_126 = vector.shape_cast %get3A_125 : vector<768xi32> to vector<1x768xi32>
      %mul3A_127 = arith.constant 512 : i32
      %mul3A_128 = arith.muli %arg0, %mul3A_127 : i32
      %iota3A_129 = tpu.iota {dimensions = array<i32: 0>} : vector<512x768xi32>
      %add3A_130 = vector.broadcast %mul3A_128 : i32 to vector<512x768xi32>
      %add3A_131 = arith.addi %add3A_130, %iota3A_129 : vector<512x768xi32>
      %iota3A_132 = tpu.iota {dimensions = array<i32: 1>} : vector<512x768xi32>
      %add3A_133 = vector.broadcast %multiple_of3A : i32 to vector<512x768xi32>
      %add3A_134 = arith.addi %add3A_133, %iota3A_132 : vector<512x768xi32>
      %le3A = arith.constant 2.000000e+00 : f32
      %le3A_135 = vector.broadcast %le3A : f32 to vector<512x768xf32>
      %le3A_136 = arith.cmpf ole, %sqrt3A, %le3A_135 : vector<512x768xf32>
      %eq3A_137 = vector.broadcast %broadcast_in_dim3A_121 : vector<512x1xi32> to vector<512x768xi32>
      %eq3A_138 = vector.broadcast %broadcast_in_dim3A_126 : vector<1x768xi32> to vector<512x768xi32>
      %eq3A_139 = arith.cmpi eq, %eq3A_137, %eq3A_138 : vector<512x768xi32>
      %and3A = arith.andi %le3A_136, %eq3A_139 : vector<512x768xi1>
      %ge3A = vector.broadcast %add3A_83 : i32 to vector<512x768xi32>
      %ge3A_140 = arith.cmpi sge, %add3A_134, %ge3A : vector<512x768xi32>
      %and3A_141 = arith.andi %and3A, %ge3A_140 : vector<512x768xi1>
      %convert_element_type3A_142 = arith.extui %and3A_141 : vector<512x768xi1> to vector<512x768xi32>
      %convert_element_type3A_143 = arith.sitofp %convert_element_type3A_142 : vector<512x768xi32> to vector<512x768xf32>
      %eq3A_144 = arith.cmpi eq, %add3A_131, %add3A_134 : vector<512x768xi32>
      %ge3A_145 = vector.broadcast %add3A_83 : i32 to vector<512x768xi32>
      %ge3A_146 = arith.cmpi sge, %add3A_134, %ge3A_145 : vector<512x768xi32>
      %and3A_147 = arith.andi %eq3A_144, %ge3A_146 : vector<512x768xi1>
      %convert_element_type3A_148 = arith.extui %and3A_147 : vector<512x768xi1> to vector<512x768xi32>
      %convert_element_type3A_149 = arith.sitofp %convert_element_type3A_148 : vector<512x768xi32> to vector<512x768xf32>
      %sub3A_150 = arith.subf %convert_element_type3A_143, %convert_element_type3A_149 : vector<512x768xf32>
      %get3A_151 = arith.index_cast %multiple_of3A : i32 to index
      %get3A_152 = arith.constant 0 : index
      %get3A_153 = vector.load %arg6[%get3A_151, %get3A_152] : memref<4096x128xf32, #tpu.memory_space<vmem>>, vector<768x128xf32>
      %get3A_154 = arith.constant 0 : index
      %get3A_155 = arith.constant 0 : index
      %get3A_156 = vector.load %arg13[%get3A_154, %get3A_155] : memref<512x128xf32, #tpu.memory_space<vmem>>, vector<512x128xf32>
      %dot_general3A_157 = arith.constant dense<0.000000e+00> : vector<512x128xf32>
      %dot_general3A_158 = tpu.matmul %sub3A_150, %get3A_153, %dot_general3A_157 {dimension_numbers = #tpu.dot_dimension_numbers<[1], [0], [0], [1], [0, 0, 1, 1], [], []>, transpose_lhs_hint = false} : vector<512x768xf32>, vector<768x128xf32>, vector<512x128xf32> -> vector<512x128xf32>
      %add3A_159 = arith.addf %get3A_156, %dot_general3A_158 : vector<512x128xf32>
      %swap3A_160 = arith.constant 0 : index
      %swap3A_161 = arith.constant 0 : index
      %swap3A_162 = vector.load %arg13[%swap3A_160, %swap3A_161] : memref<512x128xf32, #tpu.memory_space<vmem>>, vector<512x128xf32>
      tpu.vector_store %arg13[%swap3A_160, %swap3A_161], %add3A_159 {strides = array<i32>} : memref<512x128xf32, #tpu.memory_space<vmem>>, vector<512x128xf32>,
      %while3A_163 = arith.constant 0 : i32
      scf.yield %while3A_163 : i32
    }
    %get3A_17 = arith.constant 0 : index
    %get3A_18 = arith.constant 0 : index
    %get3A_19 = vector.load %arg7[%get3A_17, %get3A_18] : memref<512x128xf32, #tpu.memory_space<vmem>>, vector<512x128xf32>
    %get3A_20 = arith.constant 0 : index
    %get3A_21 = arith.constant 0 : index
    %get3A_22 = vector.load %arg13[%get3A_20, %get3A_21] : memref<512x128xf32, #tpu.memory_space<vmem>>, vector<512x128xf32>
    %add3A = arith.addf %get3A_19, %get3A_22 : vector<512x128xf32>
    %get3A_23 = arith.constant 0 : index
    %get3A_24 = arith.constant 0 : index
    %get3A_25 = vector.load %arg8[%get3A_23, %get3A_24] : memref<128x128xf32, #tpu.memory_space<vmem>>, vector<128x128xf32>
    %dot_general3A = arith.constant dense<0.000000e+00> : vector<512x128xf32>
    %dot_general3A_26 = tpu.matmul %add3A, %get3A_25, %dot_general3A {dimension_numbers = #tpu.dot_dimension_numbers<[1], [1], [0], [0], [0, 0, 1, 0], [], []>, precision = #tpu.contract_precision<fp32>, transpose_lhs_hint = false} : vector<512x128xf32>, vector<128x128xf32>, vector<512x128xf32> -> vector<512x128xf32>
    %get3A_27 = arith.constant 0 : index
    %get3A_28 = arith.constant 0 : index
    %get3A_29 = vector.load %arg9[%get3A_27, %get3A_28] : memref<1x128xf32, #tpu.memory_space<vmem>>, vector<1x128xf32>
    %get3A_30 = vector.shape_cast %get3A_29 : vector<1x128xf32> to vector<128xf32>
    %broadcast_in_dim3A_31 = vector.shape_cast %get3A_30 : vector<128xf32> to vector<1x128xf32>
    %add3A_32 = vector.broadcast %broadcast_in_dim3A_31 : vector<1x128xf32> to vector<512x128xf32>
    %add3A_33 = arith.addf %dot_general3A_26, %add3A_32 : vector<512x128xf32>
    %logistic3A = arith.negf %add3A_33 : vector<512x128xf32>
    %logistic3A_34 = math.exp %logistic3A : vector<512x128xf32>
    %logistic3A_35 = arith.constant 1.000000e+00 : f32
    %logistic3A_36 = vector.broadcast %logistic3A_35 : f32 to vector<512x128xf32>
    %logistic3A_37 = arith.addf %logistic3A_36, %logistic3A_34 : vector<512x128xf32>
    %logistic3A_38 = arith.divf %logistic3A_36, %logistic3A_37 : vector<512x128xf32>
    %mul3A = arith.mulf %add3A_33, %logistic3A_38 : vector<512x128xf32>
    %get3A_39 = arith.constant 0 : index
    %get3A_40 = arith.constant 0 : index
    %get3A_41 = vector.load %arg10[%get3A_39, %get3A_40] : memref<1x128xf32, #tpu.memory_space<vmem>>, vector<1x128xf32>
    %get3A_42 = vector.shape_cast %get3A_41 : vector<1x128xf32> to vector<128xf32>
    %broadcast_in_dim3A_43 = vector.shape_cast %get3A_42 : vector<128xf32> to vector<1x128xf32>
    %mul3A_44 = vector.broadcast %broadcast_in_dim3A_43 : vector<1x128xf32> to vector<512x128xf32>
    %mul3A_45 = arith.mulf %mul3A, %mul3A_44 : vector<512x128xf32>
    %mul3A_46 = arith.constant 512 : i32
    %mul3A_47 = arith.muli %arg0, %mul3A_46 : i32
    %get3A_48 = arith.constant 0 : index
    %get3A_49 = arith.index_cast %mul3A_47 : i32 to index
    %get3A_50 = vector.load %arg5[%get3A_48, %get3A_49] : memref<1x4096xi32, #tpu.memory_space<vmem>>, vector<1x512xi32>
    %get3A_51 = vector.shape_cast %get3A_50 : vector<1x512xi32> to vector<512xi32>
    %broadcast_in_dim3A_52 = vector.shape_cast %get3A_51 : vector<512xi32> to vector<512x1xi32>
    %iota3A = tpu.iota {dimensions = array<i32: 1>} : vector<512x128xi32>
    %eq3A_53 = vector.broadcast %broadcast_in_dim3A_52 : vector<512x1xi32> to vector<512x128xi32>
    %eq3A_54 = arith.cmpi eq, %eq3A_53, %iota3A : vector<512x128xi32>
    %convert_element_type3A_55 = arith.extui %eq3A_54 : vector<512x128xi1> to vector<512x128xi32>
    %convert_element_type3A_56 = arith.sitofp %convert_element_type3A_55 : vector<512x128xi32> to vector<512x128xf32>
    %dot_general3A_57 = arith.constant dense<0.000000e+00> : vector<128x128xf32>
    %dot_general3A_58 = tpu.matmul %convert_element_type3A_56, %mul3A_45, %dot_general3A_57 {dimension_numbers = #tpu.dot_dimension_numbers<[0], [0], [1], [1], [0, 1, 1, 1], [], []>, precision = #tpu.contract_precision<fp32>, transpose_lhs_hint = false} : vector<512x128xf32>, vector<512x128xf32>, vector<128x128xf32> -> vector<128x128xf32>
    %reduce_sum3A = arith.constant dense<0.000000e+00> : vector<128xf32>
    %reduce_sum3A_59 = vector.multi_reduction <add>, %dot_general3A_58, %reduce_sum3A [1] : vector<128x128xf32> to vector<128xf32>
    %get3A_60 = arith.constant 0 : index
    %get3A_61 = arith.constant 0 : index
    %get3A_62 = vector.load %arg11[%get3A_60, %get3A_61] : memref<1x1xf32, #tpu.memory_space<vmem>>, vector<1x1xf32>
    %get3A_63 = vector.extract %get3A_62[0, 0] : f32 from vector<1x1xf32>
    %reduce_sum3A_64 = arith.constant dense<0.000000e+00> : vector<128xf32>
    %reduce_sum3A_65 = vector.multi_reduction <add>, %convert_element_type3A_56, %reduce_sum3A_64 [0] : vector<512x128xf32> to vector<128xf32>
    %mul3A_66 = vector.broadcast %get3A_63 : f32 to vector<128xf32>
    %mul3A_67 = arith.mulf %mul3A_66, %reduce_sum3A_65 : vector<128xf32>
    %add3A_68 = arith.addf %reduce_sum3A_59, %mul3A_67 : vector<128xf32>
    %get3A_69 = arith.constant 0 : index
    %get3A_70 = arith.constant 0 : index
    %get3A_71 = vector.load %arg12[%get3A_69, %get3A_70] : memref<1x128xf32, #tpu.memory_space<vmem>>, vector<1x128xf32>
    %broadcast_in_dim3A_72 = vector.shape_cast %add3A_68 : vector<128xf32> to vector<1x128xf32>
    %add3A_73 = arith.addf %get3A_71, %broadcast_in_dim3A_72 : vector<1x128xf32>
    %swap3A_74 = arith.constant 0 : index
    %swap3A_75 = arith.constant 0 : index
    %swap3A_76 = vector.load %arg12[%swap3A_74, %swap3A_75] : memref<1x128xf32, #tpu.memory_space<vmem>>, vector<1x128xf32>
    tpu.vector_store %arg12[%swap3A_74, %swap3A_75], %add3A_73 {strides = array<i32>} : memref<1x128xf32, #tpu.memory_space<vmem>>, vector<1x128xf32>,
    return
  }
  func.func @transform_0(%arg0: i32, %arg1: memref<8xi32, #tpu.memory_space<smem>>, %arg2: memref<8xi32, #tpu.memory_space<smem>>) -> (i32, i32) {
    %c0_i32 = arith.constant 0 : i32
    %c0_i32_0 = arith.constant 0 : i32
    %c0_i32_1 = arith.constant 0 : i32
    return %c0_i32, %c0_i32_0 : i32, i32
  }
  func.func @transform_1(%arg0: i32, %arg1: memref<8xi32, #tpu.memory_space<smem>>, %arg2: memref<8xi32, #tpu.memory_space<smem>>) -> (i32, i32) {
    %c0_i32 = arith.constant 0 : i32
    %c0_i32_0 = arith.constant 0 : i32
    %c0_i32_1 = arith.constant 0 : i32
    return %c0_i32, %c0_i32_0 : i32, i32
  }
  func.func @transform_2(%arg0: i32, %arg1: memref<8xi32, #tpu.memory_space<smem>>, %arg2: memref<8xi32, #tpu.memory_space<smem>>) -> (i32, i32) {
    %c0_i32 = arith.constant 0 : i32
    %c0_i32_0 = arith.constant 0 : i32
    %c0_i32_1 = arith.constant 0 : i32
    return %c0_i32, %c0_i32_0 : i32, i32
  }
  func.func @transform_3(%arg0: i32, %arg1: memref<8xi32, #tpu.memory_space<smem>>, %arg2: memref<8xi32, #tpu.memory_space<smem>>) -> (i32, i32) {
    %c0_i32 = arith.constant 0 : i32
    %c0_i32_0 = arith.constant 0 : i32
    %c0_i32_1 = arith.constant 0 : i32
    return %c0_i32, %c0_i32_0 : i32, i32
  }
  func.func @transform_4(%arg0: i32, %arg1: memref<8xi32, #tpu.memory_space<smem>>, %arg2: memref<8xi32, #tpu.memory_space<smem>>) -> (i32, i32) {
    %c0_i32 = arith.constant 0 : i32
    %c0_i32_0 = arith.constant 0 : i32
    return %arg0, %c0_i32 : i32, i32
  }
  func.func @transform_5(%arg0: i32, %arg1: memref<8xi32, #tpu.memory_space<smem>>, %arg2: memref<8xi32, #tpu.memory_space<smem>>) -> (i32, i32) {
    %c0_i32 = arith.constant 0 : i32
    %c0_i32_0 = arith.constant 0 : i32
    %c0_i32_1 = arith.constant 0 : i32
    return %c0_i32, %c0_i32_0 : i32, i32
  }
  func.func @transform_6(%arg0: i32, %arg1: memref<8xi32, #tpu.memory_space<smem>>, %arg2: memref<8xi32, #tpu.memory_space<smem>>) -> (i32, i32) {
    %c0_i32 = arith.constant 0 : i32
    %c0_i32_0 = arith.constant 0 : i32
    %c0_i32_1 = arith.constant 0 : i32
    return %c0_i32, %c0_i32_0 : i32, i32
  }
  func.func @transform_7(%arg0: i32, %arg1: memref<8xi32, #tpu.memory_space<smem>>, %arg2: memref<8xi32, #tpu.memory_space<smem>>) -> (i32, i32) {
    %c0_i32 = arith.constant 0 : i32
    %c0_i32_0 = arith.constant 0 : i32
    %c0_i32_1 = arith.constant 0 : i32
    return %c0_i32, %c0_i32_0 : i32, i32
  }
  func.func @transform_8(%arg0: i32, %arg1: memref<8xi32, #tpu.memory_space<smem>>, %arg2: memref<8xi32, #tpu.memory_space<smem>>) -> (i32, i32) {
    %c0_i32 = arith.constant 0 : i32
    %c0_i32_0 = arith.constant 0 : i32
    %c0_i32_1 = arith.constant 0 : i32
    return %c0_i32, %c0_i32_0 : i32, i32
  }
  func.func @transform_9(%arg0: i32, %arg1: memref<8xi32, #tpu.memory_space<smem>>, %arg2: memref<8xi32, #tpu.memory_space<smem>>) -> (i32, i32) {
    %c0_i32 = arith.constant 0 : i32
    %c0_i32_0 = arith.constant 0 : i32
    %c0_i32_1 = arith.constant 0 : i32
    return %c0_i32, %c0_i32_0 : i32, i32
  }
}

</mosaic_0001>

<sc_bundles>
// kernel: kernel.6.cloned.1.call-start
scs
__scs_entry_jumppad:
0x0: {  	(pc) =	sbr.rel $0x88, $3  }
0x1: {  	(tag) =	ssettag $0x0;
	lr =	simm.s32 $0x1  }
0x2: {  	[smem:$0x3F8E] =	sst lr;
	_ =	strace $0xD0000000  }
0x3: {  	_ = 	snop  }
0x4: {  	_ = 	snop  }
0x5: {  	_ = 	snop  }
0x6: {  	_ = 	snop  }
0x7: {  	_ = 	snop  }
__scs_overlays_trampoline_lowered:
0x8: {  	[smem:$0x3F9D] =	sst s0  }
0x9: {  	[smem:$0x3F9E] =	sst s1  }
0xa: {  	[smem:$0x3F9F] =	sst s2  }
0xb: {  	[smem:$0x3FA0] =	sst s3  }
0xc: {  	[smem:$0x3FA1] =	sst s4  }
0xd: {  	[smem:$0x3FA2] =	sst s5  }
0xe: {  	[smem:$0x3FA3] =	sst s6  }
0xf: {  	[smem:$0x3FA4] =	sst s7  }
0x10: {  	[smem:$0x3FA5] =	sst s8  }
0x11: {  	[smem:$0x3FA6] =	sst s9;
	s0 =	simm.s32 @!p0 $0x0  }
0x12: {  	s1 =	sld [smem:$0x3F8C];
	s0 =	simm.s32 @p0 $0x1  }
0x13: {  	[smem:$0x3FA7] =	sst s0;
	s0 =	simm.s32 @!p1 $0x0  }
0x14: {  	s2 =	sld [smem:$0x3F8B];
	s0 =	simm.s32 @p1 $0x1  }
0x15: {  	[smem:$0x3FA8] =	sst s0;
	s0 =	simm.s32 @!p2 $0x0  }
0x16: {  	s3 =	sld [smem:$0x3FDB];
	s0 =	simm.s32 @p2 $0x1  }
0x17: {  	s4 =	simm.s32 $0x1BF5;
	[smem:$0x3FAA] =	sst s0  }
0x18: {  	s0 =	sld [smem:$0x3F8D];
	_ =	swait.ge [sflag:s4], $0x0  }
0x19: {  	s7 =	sld [smem:$0x3F8E]  }
0x1a: {  	s8 =	sadd.s32 $0xFFFFE003, lr  }
0x1b: {  	s9 =	sadd.s32 $0xFFFFFEF7, lr;
	s5 =	simm.s32 $0xFFFFFFFF;
	p2 =	slt.u32 s8, $0xFFFFF086  }
0x1c: {  	p1 =	slt.u32 s9, $0xF7A;
	s5 =	simm.s32 @!p2 $0x0  }
0x1d: {  	s5 =	simm.s32 @p1 $0x1;
	p0 =	seq.s32 s7, s2  }
0x1e: {  	s7 =	smul.u32 @!p0 $0xF7A, s2;
	p2 =	seq.s32 @!p0 s5, $0x0  }
0x1f: {  	s9 =	smul.u32 $0xF7A, s1;
	s8 =	simm.s32 @!p0 $0x1BF5;
	p2 =	por !p2, p0  }
0x20: {  	[sflag:s8] =	ssyncset.s32 @!p0 $0xFFFFF086;
	s6 =	sadd.s32 @!p0 s3, s7;
	s7 =	simm.s32 @!p0 $0x108  }
0x21: {  	s3 =	sadd.s32 s3, s9;
	s6 =	sadd.s32 @!p0 $0x88, s6;
	s7 =	simm.s32 @p2 $0x1082  }
0x22: {  	[simem:s7], [sflag:s8] =	dma.local @!p0 [hbm:s6], $0xF7A  }
0x23: {  	s9 =	sor.u32 $0xD0000000, s2;
	s6 =	simm.s32 $0x108;
	_ =	swait.ge @!p0 [sflag:s8], $0x0  }
0x24: {  	s3 =	sadd.s32 $0x88, s3;
	s6 =	simm.s32 @!p1 $0x1082;
	[sflag:s4] =	ssyncset.s32 $0xFFFFF086  }
0x25: {  	[simem:s6], [sflag:s4] =	dma.local [hbm:s3], $0xF7A  }
0x26: {  	[smem:$0x3F8E] =	sst s1;
	(tag) =	ssettag s2;
	_ =	strace s9  }
0x27: {  	s1 =	sld [smem:$0x3F9E]  }
0x28: {  	s2 =	sld [smem:$0x3F9F]  }
0x29: {  	s4 =	sld [smem:$0x3FA1]  }
0x2a: {  	p0 =	seq.s32 s5, $0x0;
	s5 =	sld [smem:$0x3FA2]  }
0x2b: {  	s6 =	sld [smem:$0x3FA3]  }
0x2c: {  	s7 =	sld [smem:$0x3FA4]  }
0x2d: {  	s3 =	simm.s32 $0x108;
	s8 =	sld [smem:$0x3FA5]  }
0x2e: {  	s3 =	simm.s32 @!p0 $0x1082;
	s9 =	sld [smem:$0x3FA6]  }
0x2f: {  	lr =	sadd.s32 s0, s3;
	s0 =	sld [smem:$0x3F9D]  }
0x30: {  	s3 =	sld [smem:$0x3FA0]  }
0x31: {  	[smem:$0x3FA9] =	sst s10  }
0x32: {  	s10 =	sld [smem:$0x3FA7];
	_ =	sdelay $0x3  }
0x33: {  	p0 =	seq.s32 s10, $0x1;
	s10 =	sld [smem:$0x3FA9];
	_ =	sdelay $0x3  }
0x34: {  	[smem:$0x3FA9] =	sst s10  }
0x35: {  	s10 =	sld [smem:$0x3FA8];
	_ =	sdelay $0x3  }
0x36: {  	p1 =	seq.s32 s10, $0x1;
	s10 =	sld [smem:$0x3FA9];
	_ =	sdelay $0x3  }
0x37: {  	[smem:$0x3FA9] =	sst s10  }
0x38: {  	s10 =	sld [smem:$0x3FAA]  }
0x39: {  	_ = 	snop;
	(pc) =	sbr.ind lr, $3  }
0x3a: {  	_ = 	snop  }
0x3b: {  	_ = 	snop  }
0x3c: {  	p2 =	seq.s32 s10, $0x1;
	s10 =	sld [smem:$0x3FA9]  }
0x3d: {  	_ =	shalt  }
0x3e: {  	_ =	shalt  }
0x3f: {  	_ =	shalt  }
0x40: {  	_ =	shalt  }
0x41: {  	_ =	shalt  }
0x42: {  	_ =	shalt  }
0x43: {  	_ =	shalt  }
0x44: {  	_ =	shalt  }
0x45: {  	_ =	shalt  }
0x46: {  	_ =	shalt  }
0x47: {  	_ =	shalt  }
0x48: {  	_ =	shalt  }
0x49: {  	_ =	shalt  }
0x4a: {  	_ =	shalt  }
0x4b: {  	_ =	shalt  }
0x4c: {  	_ =	shalt  }
0x4d: {  	_ =	shalt  }
0x4e: {  	_ =	shalt  }
0x4f: {  	_ =	shalt  }
0x50: {  	_ =	shalt  }
0x51: {  	_ =	shalt  }
0x52: {  	_ =	shalt  }
0x53: {  	_ =	shalt  }
0x54: {  	_ =	shalt  }
0x55: {  	_ =	shalt  }
0x56: {  	_ =	shalt  }
0x57: {  	_ =	shalt  }
0x58: {  	_ =	shalt  }
0x59: {  	_ =	shalt  }
0x5a: {  	_ =	shalt  }
0x5b: {  	_ =	shalt  }
0x5c: {  	_ =	shalt  }
0x5d: {  	_ =	shalt  }
0x5e: {  	_ =	shalt  }
0x5f: {  	_ =	shalt  }
0x60: {  	_ =	shalt  }
0x61: {  	_ =	shalt  }
0x62: {  	_ =	shalt  }
0x63: {  	_ =	shalt  }
0x64: {  	_ =	shalt  }
0x65: {  	_ =	shalt  }
0x66: {  	_ =	shalt  }
0x67: {  	_ =	shalt  }
0x68: {  	_ =	shalt  }
0x69: {  	_ =	shalt  }
0x6a: {  	_ =	shalt  }
0x6b: {  	_ =	shalt  }
0x6c: {  	_ =	shalt  }
0x6d: {  	_ =	shalt  }
0x6e: {  	_ =	shalt  }
0x6f: {  	_ =	shalt  }
0x70: {  	_ =	shalt  }
0x71: {  	_ =	shalt  }
0x72: {  	_ =	shalt  }
0x73: {  	_ =	shalt  }
0x74: {  	_ =	shalt  }
0x75: {  	_ =	shalt  }
0x76: {  	_ =	shalt  }
0x77: {  	_ =	shalt  }
0x78: {  	_ =	shalt  }
0x79: {  	_ =	shalt  }
0x7a: {  	_ =	shalt  }
0x7b: {  	_ =	shalt  }
0x7c: {  	_ =	shalt  }
0x7d: {  	_ =	shalt  }
0x7e: {  	_ =	shalt  }
0x7f: {  	_ =	shalt  }
0x80: {  	_ =	shalt  }
0x81: {  	_ =	shalt  }
0x82: {  	_ =	shalt  }
0x83: {  	_ =	shalt  }
0x84: {  	_ =	shalt  }
0x85: {  	_ =	shalt  }
0x86: {  	_ =	shalt  }
0x87: {  	_ =	shalt  }
.Lfunc_end0:
.L_simem_size_0:
called_computation_lowered:
.L_overlay_start_0:
0x88: {  	s2 =	sld [smem:$0x3FD9]  }
0x89: {  	s3 =	sld [smem:$0x3FFE];
	_ =	sdelay $0x1  }
0x8a: {  	s1 =	srdreg.scid  }
0x8b: {  	s0 =	sand.u32 $0x1, s1  }
0x8c: {  	s17 =	sshll.u32 s0, $0xA;
	s2 =	sadd.s32 s3, s2  }
0x8d: {  	s2 =	sadd.s32 s2, s17  }
0x8e: {  	[smem:$0x3FB5] =	sst s2  }
0x8f: {  	_ = 	snop  }
0x90: {  	s2 =	sld [smem:$0x3FC9];
	(tm) =	ssettm $0x1  }
0x91: {  	s18 =	sld [smem:$0x3FFB];
	_ =	sdelay $0x3  }
0x92: {  	_ =	strace s18  }
0x93: {  	s3 =	sld [smem:$0x3FFC];
	_ =	sdelay $0x3  }
0x94: {  	_ =	strace s3  }
0x95: {  	s3 =	sld [smem:$0x3FFD];
	_ =	sdelay $0x3  }
0x96: {  	_ =	strace s3  }
0x97: {  	_ =	strace $0x8FFFFFFF  }
0x98: {  	s19 =	sld [smem:$0x3FDB];
	_ =	sdelay $0x1  }
0x99: {  	s4 =	simm.s32 $_scs_section_size  }
0x9a: {  	s5 =	simm.s32 $_size__tile_overlayer_lowered;
	s6 =	simm.s32 $_tile_overlayer_lowered  }
0x9b: {  	s22 =	simm.s32 $0x1BFF;
	s21 =	sshll.u32 s6, $0x1;
	s3 =	sadd.s32 s4, s19  }
0x9c: {  	s7 =	simm.s32 $0x0;
	s20 =	sshll.u32 s5, $0x1;
	s5 =	sadd.s32 s21, s3  }
0x9d: {  	[timem:s7], [sflag:s22] =	dma.local [hbm:s5], s20  }
0x9e: {  	_ =	swait.ge [sflag:s22], s20  }
0x9f: {  	s4 =	ssub.s32 $0x0, s20;
	[sflag:s22] =	ssyncset.done $0x0  }
0xa0: {  	[sflag:s22] =	ssyncadd.s32 s4;
	_ =	sdelay $0x1  }
0xa1: {  	s23 =	simm.s32 $0x1B8B  }
0xa2: {  	_ =	swait.ge [sflag:s23], $0x1  }
0xa3: {  	[sflag:s23] =	ssyncset.done $0x0  }
0xa4: {  	s25 =	simm.s32 $0x1B8E;
	s24 =	sld [smem:$0x3FFE];
	[sflag:s23] =	ssyncadd.s32 $0xFFFFFFFF  }
0xa5: {  	s26 =	simm.s32 $execute0_lowered;
	[smem:$0x3FD2] =	sst s25  }
0xa6: {  	s5 =	sshll.u32 s26, $0x1;
	_ =	strace $0x80000046;
	[dreg:$0x1] =	wrdreg $0xFFFFFFFF  }
0xa7: {  	s28 =	simm.s32 $_size_execute0_lowered;
	s3 =	sadd.s32 s3, s5;
	[dreg:$0x0] =	wrdreg $0x0  }
0xa8: {  	s5 =	sshll.u32 s28, $0x1;
	[dreg:$0x2] =	wrdreg s3  }
0xa9: {  	[dreg:$0x3] =	wrdreg s5  }
0xaa: {  	[dreg:$0x4] =	wrdreg $0xC0  }
0xab: {  	_ =	task [dreg:s7], $0x5FFFF  }
0xac: {  	[dreg:$0x1] =	wrdreg $0xFFFFFFFF  }
0xad: {  	[dreg:$0x0] =	wrdreg $0x60  }
0xae: {  	[dreg:$0x2] =	wrdreg s24  }
0xaf: {  	[dreg:$0x3] =	wrdreg s2  }
0xb0: {  	[dreg:$0x4] =	wrdreg $0x9  }
0xb1: {  	_ =	task.clear_ibuf [dreg:s7], $0x5FFFF;
	_ =	strace $0x90000046  }
0xb2: {  	s29 =	simm.s32 $0x9;
	_ =	strace $0x80000048  }
0xb3: {  	_ =	swait.ge [sflag:s29], $0x1  }
0xb4: {  	[sflag:s29] =	ssyncadd.s32 $0xFFFFFFFF  }
0xb5: {  	_ =	strace $0x90000048  }
0xb6: {  	_ =	sfence  }
0xb7: {  	s30 =	sld [smem:$0x0];
	_ =	sdelay $0x2  }
0xb8: {  	s31 =	sshll.u32 s1, $0xD;
	s1 =	sshrl.u32 s1, $0x2  }
0xb9: {  	s3 =	sand.u32 $0x4000, s31;
	s1 =	sadd.s32 s1, s30  }
0xba: {  	s0 =	sor.u32 s3, s0;
	s1 =	sshll.u32 s1, $0x11  }
0xbb: {  	s0 =	sor.u32 s1, s0  }
0xbc: {  	s0 =	sadd.s32 $0x8F2B, s0  }
0xbd: {  	[sflag:s0] =	ssyncadd.remote.s32 $0x1  }
0xbe: {  	_ =	sfence.sel $0xFFFF  }
0xbf: {  	[dreg:$0x0] =	wrdreg $0xFFFFFFFF;
	(pc) =	sbr.abs _section_cstart, $3  }
0xc0: {  	[dreg:$0x1] =	wrdreg $0xFFFFFFFF  }
0xc1: {  	_ =	task.clear_ibuf [dreg:s7], $0x2FFFF;
	_ =	strace $0x9FFFFFFF  }
0xc2: {  	(tm) =	ssettm $0x7FFFFFFF  }
0xc3: {  	_ =	shalt  }
tec
execute0_lowered:
.L_overlay_start_1:
0x0: {  	(tag) =	ssettag $0x1  }
0x1: {  	s1 =	srdreg.scid;
	s4 =	rddreg [dreg:$0x0]  }
0x2: {  	s0 =	stileid.u32;
	s5 =	rddreg [dreg:$0x1]  }
0x3: {  	s18 =	simm.s32 $0x880;
	s19 =	simm.s32 $0xC80;
	s20 =	simm.s32 $0x1480  }
0x4: {  	s21 =	simm.s32 $0x1880;
	s23 =	simm.s32 $0x2080;
	s24 =	simm.s32 $0x2480  }
0x5: {  	s25 =	simm.s32 $0x2C80;
	s26 =	simm.s32 $0x3080;
	s1 =	sand.u32 $0x1, s1  }
0x6: {  	s7 =	simm.s32 $0x80;
	s2 =	sshll.u32 s0, $0x5;
	s3 =	sshll.u32 s1, $0x4  }
0x7: {  	s9 =	simm.s32 $0x3C80;
	s3 =	sor.u32 s3, s2;
	s2 =	simm.s32 $0x0  }
0x8: {  	s6 =	smul.u32 $0x180, s3;
	[smem:$0x7FF] =	sst s2;
	s3 =	sadd.s32 s5, s3  }
0x9: {  	s10 =	simm.s32 $0x4480;
	_ =	strace $0x80000047;
	[dreg:$0x3] =	wrdreg s3  }
0xa: {  	s11 =	simm.s32 $0x4880;
	s12 =	simm.s32 $0x5080;
	[dreg:$0x5] =	wrdreg s18  }
0xb: {  	s13 =	simm.s32 $0x5480;
	s14 =	simm.s32 $0x5C80;
	[dreg:$0x6] =	wrdreg s19  }
0xc: {  	s15 =	simm.s32 $0x6080;
	s16 =	simm.s32 $0x6880;
	[dreg:$0x7] =	wrdreg s20  }
0xd: {  	s28 =	simm.s32 $0xA880;
	s29 =	simm.s32 $0xB080;
	[dreg:$0x8] =	wrdreg s21  }
0xe: {  	s30 =	simm.s32 $0xB480;
	s1 =	ssub.s32 $0x2, s1;
	[dreg:$0x9] =	wrdreg s23  }
0xf: {  	s31 =	simm.s32 $0xBC80;
	s22 =	sshrl.u32 s1, $0x1;
	[dreg:$0xa] =	wrdreg s24  }
0x10: {  	s1 =	ssub.s32 s1, s22;
	s22 =	simm.s32 $0x8C80;
	[dreg:$0xb] =	wrdreg s25  }
0x11: {  	s3 =	sadd.s32 $0x1200, s4;
	s5 =	smax.u32 s1, $0x1;
	[dreg:$0xc] =	wrdreg s26  }
0x12: {  	s18 =	simm.s32 $0x7480;
	s19 =	simm.s32 $0x7880;
	s20 =	simm.s32 $0x8080  }
0x13: {  	s21 =	simm.s32 $0x8480;
	s23 =	simm.s32 $0x9080;
	s24 =	simm.s32 $0x9880  }
0x14: {  	v2 =	vlaneseq.u32;
	s25 =	simm.s32 $0x9C80;
	s26 =	simm.s32 $0xA480;
	s6 =	sadd.s32 s6, s4  }
0x15: {  	vm0 =	vmmov $0xffff;
	vm1 =	vmmov $0xff;
	v1 =	vshrl.u32 v2, $0x3;
	s1 =	simm.s32 $0x1;
	s4 =	sadd.s32 $0x1300, s4;
	s17 =	sadd.s32 $0x2600, s6  }
0x16: {  	v0 =	vand.u32 $0x7, v2;
	v2 =	vor.u32 $0x8, v2;
	v1 =	vmul.u32 $0x8, v1;
	s6 =	simm.s32 $0x2;
	[dreg:$0x4] =	wrdreg s17;
	s17 =	simm.s32 $0x6C80  }
.LBB2_1:
0x17: {  	s0 =	rddreg [dreg:$0x3]  }
0x18: {  	[tilespmem:s2], [sflag:$0x2] =	stream.linear.gather [hbm4b:s0+s2], $0x80, $0x38;
	[tilespmem:$0xC080] =	vst v63  }
0x19: {  	_ =	swait.ge [sflag:s6], $0x80  }
0x1a: {  	[sflag:s6] =	ssyncset.done $0x0  }
0x1b: {  	[sflag:s6] =	ssyncadd.s32 $0xFFFFFF80  }
0x1c: {  	v3 =	vld [tilespmem:$0x0];
	_ =	sdelay $0x4  }
0x1d: {  	v4 =	vshrl.u32 v3, $0x3  }
0x1e: {  	v4 =	vmul.u32 $0x18, v4  }
0x1f: {  	v3 =	vand.u32 $0x7, v3  }
0x20: {  	v3 =	vor.u32 v3, v4  }
0x21: {  	v4 =	vperm.xlane v3, v0;
	_ =	sdelay $0x1  }
0x22: {  	v4 =	vadd.s32 v1, v4;
	_ =	sdelay $0x1  }
0x23: {  	v3 =	vperm.xlane v3, v2;
	_ =	sdelay $0x1  }
0x24: {  	v3 =	vadd.s32 v1, v3  }
0x25: {  	[tilespmem:s7], [sflag:$0x1] =	stream.indirect_vreg.gather [hbm4b:s3+s2], $0x80, v4, vm0, $0xb8;
	[tilespmem:$0xC080] =	vst v63  }
0x26: {  	s0 =	rddreg [dreg:$0x5]  }
0x27: {  	[tilespmem:s0], [sflag:$0x1] =	stream.indirect_vreg.gather [hbm4b:s4+s2], $0x80, v4, vm1, $0xb8;
	[tilespmem:$0xC080] =	vst v63  }
0x28: {  	s8 =	rddreg [dreg:$0x6]  }
0x29: {  	[tilespmem:s8], [sflag:$0x1] =	stream.indirect_vreg.gather [hbm4b:s3+s2], $0x80, v3, vm0, $0xb8;
	[tilespmem:$0xC080] =	vst v63  }
0x2a: {  	s0 =	rddreg [dreg:$0x7]  }
0x2b: {  	[tilespmem:s0], [sflag:$0x1] =	stream.indirect_vreg.gather [hbm4b:s4+s2], $0x80, v3, vm1, $0xb8;
	[tilespmem:$0xC080] =	vst v63  }
0x2c: {  	v3 =	vld [tilespmem:$0x10];
	_ =	sdelay $0x4  }
0x2d: {  	v57 =	vshrl.u32 v3, $0x3  }
0x2e: {  	v4 =	vmul.u32 $0x18, v57  }
0x2f: {  	v3 =	vand.u32 $0x7, v3  }
0x30: {  	v3 =	vor.u32 v3, v4  }
0x31: {  	v4 =	vperm.xlane v3, v0;
	_ =	sdelay $0x1  }
0x32: {  	v4 =	vadd.s32 v1, v4;
	_ =	sdelay $0x1  }
0x33: {  	v3 =	vperm.xlane v3, v2;
	_ =	sdelay $0x1  }
0x34: {  	s0 =	rddreg [dreg:$0x8];
	v3 =	vadd.s32 v1, v3  }
0x35: {  	[tilespmem:s0], [sflag:$0x1] =	stream.indirect_vreg.gather [hbm4b:s3+s2], $0x80, v4, vm0, $0xb8;
	[tilespmem:$0xC080] =	vst v63  }
0x36: {  	s8 =	rddreg [dreg:$0x9]  }
0x37: {  	[tilespmem:s8], [sflag:$0x1] =	stream.indirect_vreg.gather [hbm4b:s4+s2], $0x80, v4, vm1, $0xb8;
	[tilespmem:$0xC080] =	vst v63  }
0x38: {  	s0 =	rddreg [dreg:$0xa]  }
0x39: {  	[tilespmem:s0], [sflag:$0x1] =	stream.indirect_vreg.gather [hbm4b:s3+s2], $0x80, v3, vm0, $0xb8;
	[tilespmem:$0xC080] =	vst v63  }
0x3a: {  	s8 =	rddreg [dreg:$0xb]  }
0x3b: {  	[tilespmem:s8], [sflag:$0x1] =	stream.indirect_vreg.gather [hbm4b:s4+s2], $0x80, v3, vm1, $0xb8;
	[tilespmem:$0xC080] =	vst v63  }
0x3c: {  	v3 =	vld [tilespmem:$0x20];
	_ =	sdelay $0x4  }
0x3d: {  	v58 =	vshrl.u32 v3, $0x3  }
0x3e: {  	v4 =	vmul.u32 $0x18, v58  }
0x3f: {  	v3 =	vand.u32 $0x7, v3  }
0x40: {  	v3 =	vor.u32 v3, v4  }
0x41: {  	v4 =	vperm.xlane v3, v0;
	_ =	sdelay $0x1  }
0x42: {  	v4 =	vadd.s32 v1, v4;
	_ =	sdelay $0x1  }
0x43: {  	v3 =	vperm.xlane v3, v2;
	_ =	sdelay $0x1  }
0x44: {  	s8 =	rddreg [dreg:$0xc];
	v3 =	vadd.s32 v1, v3  }
0x45: {  	[tilespmem:s8], [sflag:$0x1] =	stream.indirect_vreg.gather [hbm4b:s3+s2], $0x80, v4, vm0, $0xb8;
	[tilespmem:$0xC080] =	vst v63  }
0x46: {  	s8 =	simm.s32 $0x3880  }
0x47: {  	[tilespmem:s8], [sflag:$0x1] =	stream.indirect_vreg.gather [hbm4b:s4+s2], $0x80, v4, vm1, $0xb8;
	[tilespmem:$0xC080] =	vst v63  }
0x48: {  	_ = 	snop  }
0x49: {  	[tilespmem:s9], [sflag:$0x1] =	stream.indirect_vreg.gather [hbm4b:s3+s2], $0x80, v3, vm0, $0xb8;
	[tilespmem:$0xC080] =	vst v63  }
0x4a: {  	_ = 	snop  }
0x4b: {  	[tilespmem:s10], [sflag:$0x1] =	stream.indirect_vreg.gather [hbm4b:s4+s2], $0x80, v3, vm1, $0xb8;
	[tilespmem:$0xC080] =	vst v63  }
0x4c: {  	v3 =	vld [tilespmem:$0x30];
	_ =	sdelay $0x4  }
0x4d: {  	v59 =	vshrl.u32 v3, $0x3  }
0x4e: {  	v4 =	vmul.u32 $0x18, v59  }
0x4f: {  	v3 =	vand.u32 $0x7, v3  }
0x50: {  	v3 =	vor.u32 v3, v4  }
0x51: {  	v4 =	vperm.xlane v3, v0;
	_ =	sdelay $0x1  }
0x52: {  	v4 =	vadd.s32 v1, v4;
	_ =	sdelay $0x1  }
0x53: {  	v3 =	vperm.xlane v3, v2;
	_ =	sdelay $0x1  }
0x54: {  	v3 =	vadd.s32 v1, v3  }
0x55: {  	[tilespmem:s11], [sflag:$0x1] =	stream.indirect_vreg.gather [hbm4b:s3+s2], $0x80, v4, vm0, $0xb8;
	[tilespmem:$0xC080] =	vst v63  }
0x56: {  	_ = 	snop  }
0x57: {  	[tilespmem:s12], [sflag:$0x1] =	stream.indirect_vreg.gather [hbm4b:s4+s2], $0x80, v4, vm1, $0xb8;
	[tilespmem:$0xC080] =	vst v63  }
0x58: {  	_ = 	snop  }
0x59: {  	[tilespmem:s13], [sflag:$0x1] =	stream.indirect_vreg.gather [hbm4b:s3+s2], $0x80, v3, vm0, $0xb8;
	[tilespmem:$0xC080] =	vst v63  }
0x5a: {  	_ = 	snop  }
0x5b: {  	[tilespmem:s14], [sflag:$0x1] =	stream.indirect_vreg.gather [hbm4b:s4+s2], $0x80, v3, vm1, $0xb8;
	[tilespmem:$0xC080] =	vst v63  }
0x5c: {  	v3 =	vld [tilespmem:$0x40];
	_ =	sdelay $0x4  }
0x5d: {  	v60 =	vshrl.u32 v3, $0x3  }
0x5e: {  	v4 =	vmul.u32 $0x18, v60  }
0x5f: {  	v3 =	vand.u32 $0x7, v3  }
0x60: {  	v3 =	vor.u32 v3, v4  }
0x61: {  	v4 =	vperm.xlane v3, v0;
	_ =	sdelay $0x1  }
0x62: {  	v4 =	vadd.s32 v1, v4;
	_ =	sdelay $0x1  }
0x63: {  	v3 =	vperm.xlane v3, v2;
	_ =	sdelay $0x1  }
0x64: {  	v3 =	vadd.s32 v1, v3  }
0x65: {  	[tilespmem:s15], [sflag:$0x1] =	stream.indirect_vreg.gather [hbm4b:s3+s2], $0x80, v4, vm0, $0xb8;
	[tilespmem:$0xC080] =	vst v63  }
0x66: {  	_ = 	snop  }
0x67: {  	[tilespmem:s16], [sflag:$0x1] =	stream.indirect_vreg.gather [hbm4b:s4+s2], $0x80, v4, vm1, $0xb8;
	[tilespmem:$0xC080] =	vst v63  }
0x68: {  	_ = 	snop  }
0x69: {  	[tilespmem:s17], [sflag:$0x1] =	stream.indirect_vreg.gather [hbm4b:s3+s2], $0x80, v3, vm0, $0xb8;
	[tilespmem:$0xC080] =	vst v63  }
0x6a: {  	_ = 	snop  }
0x6b: {  	[tilespmem:s18], [sflag:$0x1] =	stream.indirect_vreg.gather [hbm4b:s4+s2], $0x80, v3, vm1, $0xb8;
	[tilespmem:$0xC080] =	vst v63  }
0x6c: {  	v3 =	vld [tilespmem:$0x50];
	_ =	sdelay $0x4  }
0x6d: {  	v61 =	vshrl.u32 v3, $0x3  }
0x6e: {  	v4 =	vmul.u32 $0x18, v61  }
0x6f: {  	v3 =	vand.u32 $0x7, v3  }
0x70: {  	v3 =	vor.u32 v3, v4  }
0x71: {  	v4 =	vperm.xlane v3, v0;
	_ =	sdelay $0x1  }
0x72: {  	v4 =	vadd.s32 v1, v4;
	_ =	sdelay $0x1  }
0x73: {  	v3 =	vperm.xlane v3, v2;
	_ =	sdelay $0x1  }
0x74: {  	v3 =	vadd.s32 v1, v3  }
0x75: {  	[tilespmem:s19], [sflag:$0x1] =	stream.indirect_vreg.gather [hbm4b:s3+s2], $0x80, v4, vm0, $0xb8;
	[tilespmem:$0xC080] =	vst v63  }
0x76: {  	_ = 	snop  }
0x77: {  	[tilespmem:s20], [sflag:$0x1] =	stream.indirect_vreg.gather [hbm4b:s4+s2], $0x80, v4, vm1, $0xb8;
	[tilespmem:$0xC080] =	vst v63  }
0x78: {  	_ = 	snop  }
0x79: {  	[tilespmem:s21], [sflag:$0x1] =	stream.indirect_vreg.gather [hbm4b:s3+s2], $0x80, v3, vm0, $0xb8;
	[tilespmem:$0xC080] =	vst v63  }
0x7a: {  	_ = 	snop  }
0x7b: {  	[tilespmem:s22], [sflag:$0x1] =	stream.indirect_vreg.gather [hbm4b:s4+s2], $0x80, v3, vm1, $0xb8;
	[tilespmem:$0xC080] =	vst v63  }
0x7c: {  	v3 =	vld [tilespmem:$0x60];
	_ =	sdelay $0x4  }
0x7d: {  	v62 =	vshrl.u32 v3, $0x3  }
0x7e: {  	v4 =	vmul.u32 $0x18, v62  }
0x7f: {  	v3 =	vand.u32 $0x7, v3  }
0x80: {  	v3 =	vor.u32 v3, v4  }
0x81: {  	v4 =	vperm.xlane v3, v0;
	_ =	sdelay $0x1  }
0x82: {  	v4 =	vadd.s32 v1, v4;
	_ =	sdelay $0x1  }
0x83: {  	v3 =	vperm.xlane v3, v2;
	_ =	sdelay $0x1  }
0x84: {  	v3 =	vadd.s32 v1, v3  }
0x85: {  	[tilespmem:s23], [sflag:$0x1] =	stream.indirect_vreg.gather [hbm4b:s3+s2], $0x80, v4, vm0, $0xb8;
	[tilespmem:$0xC080] =	vst v63  }
0x86: {  	_ = 	snop  }
0x87: {  	[tilespmem:s24], [sflag:$0x1] =	stream.indirect_vreg.gather [hbm4b:s4+s2], $0x80, v4, vm1, $0xb8;
	[tilespmem:$0xC080] =	vst v63  }
0x88: {  	_ = 	snop  }
0x89: {  	[tilespmem:s25], [sflag:$0x1] =	stream.indirect_vreg.gather [hbm4b:s3+s2], $0x80, v3, vm0, $0xb8;
	[tilespmem:$0xC080] =	vst v63  }
0x8a: {  	_ = 	snop  }
0x8b: {  	[tilespmem:s26], [sflag:$0x1] =	stream.indirect_vreg.gather [hbm4b:s4+s2], $0x80, v3, vm1, $0xb8;
	[tilespmem:$0xC080] =	vst v63  }
0x8c: {  	v3 =	vld [tilespmem:$0x70];
	_ =	sdelay $0x4  }
0x8d: {  	v63 =	vshrl.u32 v3, $0x3  }
0x8e: {  	v4 =	vmul.u32 $0x18, v63  }
0x8f: {  	v3 =	vand.u32 $0x7, v3  }
0x90: {  	v3 =	vor.u32 v3, v4  }
0x91: {  	v4 =	vperm.xlane v3, v0;
	_ =	sdelay $0x1  }
0x92: {  	v4 =	vadd.s32 v1, v4;
	_ =	sdelay $0x1  }
0x93: {  	v3 =	vperm.xlane v3, v2;
	_ =	sdelay $0x1  }
0x94: {  	v3 =	vadd.s32 v1, v3  }
0x95: {  	[tilespmem:s28], [sflag:$0x1] =	stream.indirect_vreg.gather [hbm4b:s3+s2], $0x80, v4, vm0, $0xb8;
	[tilespmem:$0xC080] =	vst v63  }
0x96: {  	_ = 	snop  }
0x97: {  	[tilespmem:s29], [sflag:$0x1] =	stream.indirect_vreg.gather [hbm4b:s4+s2], $0x80, v4, vm1, $0xb8;
	[tilespmem:$0xC080] =	vst v63  }
0x98: {  	_ = 	snop  }
0x99: {  	[tilespmem:s30], [sflag:$0x1] =	stream.indirect_vreg.gather [hbm4b:s3+s2], $0x80, v3, vm0, $0xb8;
	[tilespmem:$0xC080] =	vst v63  }
0x9a: {  	_ = 	snop  }
0x9b: {  	[tilespmem:s31], [sflag:$0x1] =	stream.indirect_vreg.gather [hbm4b:s4+s2], $0x80, v3, vm1, $0xb8;
	[tilespmem:$0xC080] =	vst v63  }
0x9c: {  	_ =	swait.ge [sflag:s1], $0xC000  }
0x9d: {  	p0 =	sne.s32 s5, $0x1;
	[sflag:s1] =	ssyncset.done $0x0  }
.Ltmp0:
0x9e: {  	s8 =	rddreg [dreg:$0x4];
	[sflag:s1] =	ssyncadd.s32 $0xFFFF4000;
	(pc) =	sbr.rel @p0 .LBB2_1-.Ltmp0, $4  }
0x9f: {  	[hbm4b:s8+s2] =	stream.linear.scatter [tilespmem:s7], [sflag:$0x2], $0xC000, $0x38;
	[tilespmem:$0xC080] =	vst v63  }
0xa0: {  	_ =	swait.ge [sflag:s6], $0xC000  }
0xa1: {  	[sflag:s6] =	ssyncset.done $0x0  }
0xa2: {  	s5 =	sadd.s32 $0xFFFFFFFF, s5;
	[sflag:s6] =	ssyncadd.s32 $0xFFFF4000  }
0xa3: {  	_ =	sfence.sel $0x180000  }
0xa4: {  	[bflag:$0x0] =	sbarrier.arrive $0xFFFF  }
0xa5: {  	_ =	strace $0x90000047  }
0xa6: {  	s0 =	stileid.u32;
	[bflag:$0x2] =	sbarrier.arrive $0xFFFF  }
0xa7: {  	p0 =	sne.s32 s0, $0x0;
	s0 =	rddreg [dreg:$0x2]  }
0xa8: {  	s0 =	sadd.s32 @!p0 $0x100000, s0  }
0xa9: {  	[sflag:s0] =	ssyncadd.tile.s32 @!p0 $0x1;
	_ =	shalt  }
.Lfunc_end2:
_tile_overlayer_lowered:
.L_overlay_start_2:
0xaa: {  	(tag) =	ssettag $0x2  }
0xab: {  	s0 =	rddreg [dreg:$0x0];
	s2 =	stileid.u32  }
0xac: {  	s1 =	rddreg [dreg:$0x1];
	p0 =	sne.s32 s2, $0x0  }
0xad: {  	s3 =	rddreg [dreg:$0x2];
	[bflag:$0x3] =	sbarrier.arrive $0xFFFF;
	s2 =	simm.s32 @!p0 $0x1C02  }
0xae: {  	[timem:s3], [sflag:s2] =	dma.local @!p0 [hbm:s0], s1  }
0xaf: {  	s0 =	simm.s32 @!p0 $0x2  }
0xb0: {  	_ =	swait.ge @!p0 [sflag:s0], s1  }
0xb1: {  	s1 =	ssub.s32 @!p0 $0x0, s1;
	[sflag:s0] =	ssyncset.done @!p0 $0x0  }
0xb2: {  	[sflag:s0] =	ssyncadd.s32 @!p0 s1  }
0xb3: {  	[bflag:$0x3] =	sbarrier.arrive $0xFFFF  }
0xb4: {  	_ =	shalt  }

</sc_bundles>
